<compile_context>
chip_gen: v7x
topology: tpu7x:2x2x1
jax: 0.10.2.dev20260603
libtpu: 0.0.44.dev20260713+nightly
codegen_flags: <defaults>
</compile_context>

<pallas_src>
import jax
import jax.numpy as jnp
from jax import lax
from jax.experimental import pallas as pl
from jax.experimental.pallas import tpu as pltpu
from jax.experimental.pallas import tpu_sc as plsc

_A0 = 0.529177249
_SIGMA = (0.5515909, 1.8886297, 1.3225029, 1.2316629,
          2.1884933, 1.7750372, 1.3677907, 1.3820058)
_N_MOL, _N_ATOM, _AEV = 512, 32, 384
_NSP = 8
_ATOMS = _N_MOL * _N_ATOM
_BLK_C = 1024
_NPAD = _ATOMS + _NSP * _BLK_C
_NBLK = _NPAD // _BLK_C
_MOL_BLK = 128
_ATM_BLK = 4096
_DUMMY_MOL = 600.0


def _celu(x):
    return jnp.where(x > 0, x, 0.1 * (jnp.exp(x * 10.0) - 1.0))


def _softplus(x):
    return jnp.maximum(x, 0.0) + jnp.log(1.0 + jnp.exp(-jnp.abs(x)))


def _erf(x):
    t = 1.0 / (1.0 + 0.3275911 * x)
    poly = t * (0.254829592 + t * (-0.284496736 + t * (1.421413741
            + t * (-1.453152027 + t * 1.061405429))))
    return 1.0 - poly * jnp.exp(-x * x)


def _aev_from_cols(x, y, z, waev_ref, baev_ref):
    return jnp.tanh(x * waev_ref[0:1, :] + y * waev_ref[1:2, :]
                    + z * waev_ref[2:3, :] + baev_ref[...])



def _chi_kernel(c_ref, waev_ref, baev_ref, w1_ref, b1_ref, w2_ref, b2_ref,
                w3_ref, b3_ref, w4_ref, b4_ref, chi_ref):
    d = c_ref[...]
    aev = _aev_from_cols(d[:, 0:1], d[:, 1:2], d[:, 2:3], waev_ref, baev_ref)
    h = _celu(jnp.dot(aev, w1_ref[...], preferred_element_type=jnp.float32)
              + b1_ref[...])
    h = _celu(jnp.dot(h, w2_ref[...], preferred_element_type=jnp.float32)
              + b2_ref[...])
    h = _celu(jnp.dot(h, w3_ref[...], preferred_element_type=jnp.float32)
              + b3_ref[...])
    o = jnp.dot(h, w4_ref[...], preferred_element_type=jnp.float32) + b4_ref[...]
    chi_ref[...] = _softplus(o)


def _run_chi(coords_flat, params):
    (w1, b1), (w2, b2), (w3, b3), (w4, b4) = params["chi"]
    full = lambda shape: pl.BlockSpec(shape, lambda g: (0,) * len(shape))
    return pl.pallas_call(
        _chi_kernel,
        grid=(_ATOMS // _ATM_BLK,),
        in_specs=[
            pl.BlockSpec((_ATM_BLK, 3), lambda g: (g, 0)),
            full((3, _AEV)), full((1, _AEV)),
            full((_AEV, 160)), full((1, 160)),
            full((160, 128)), full((1, 128)),
            full((128, 96)), full((1, 96)),
            full((96, 1)), full((1, 1)),
        ],
        out_specs=pl.BlockSpec((_ATM_BLK, 1), lambda g: (g, 0)),
        out_shape=jax.ShapeDtypeStruct((_ATOMS, 1), jnp.float32),
    )(coords_flat, params["W_aev"], params["b_aev"].reshape(1, _AEV),
      w1, b1.reshape(1, 160), w2, b2.reshape(1, 128),
      w3, b3.reshape(1, 96), w4, b4.reshape(1, 1))



def _coulomb_kernel(ct_ref, sp_ref, q_ref, chi_ref, pc_ref, esp_ref, coul_ref):
    n = _N_ATOM
    chi = chi_ref[...]
    q = q_ref[...]
    chi_sum = jnp.sum(chi, axis=0, keepdims=True)
    k_net = 1.0 + jnp.abs(q) / chi_sum
    chi_mean = chi_sum / float(n)
    k_p = jnp.where(q > 0, k_net, 1.0)
    k_n = jnp.where(q < 0, k_net, 1.0)
    pc = -k_n * chi + k_p * chi_mean

    d2 = jnp.zeros((n, n, _MOL_BLK), jnp.float32)
    for c in range(3):
        v = ct_ref[c]
        diff = v[:, None, :] - v[None, :, :]
        d2 = d2 + diff * diff
    dist = jnp.sqrt(d2 + 1e-16) / _A0

    sp = sp_ref[...]
    sig = jnp.zeros(sp.shape, jnp.float32)
    for i in range(_NSP):
        sig = jnp.where(sp == i, _SIGMA[i], sig)
    sig2 = sig * sig
    sig_sqsum = jnp.maximum(sig2[:, None, :] + sig2[None, :, :], 1e-8)
    j_ij = _erf(dist / jnp.sqrt(2.0 * sig_sqsum)) / dist

    ii = lax.broadcasted_iota(jnp.int32, (n, n, _MOL_BLK), 0)
    jj = lax.broadcasted_iota(jnp.int32, (n, n, _MOL_BLK), 1)
    w = jnp.where(ii == jj, 0.0, j_ij)
    esp = jnp.sum(pc[:, None, :] * w, axis=0)
    coul = 0.5 * jnp.sum(pc * esp, axis=0, keepdims=True)

    pc_ref[...] = pc
    esp_ref[...] = esp
    coul_ref[...] = coul


def _run_coulomb(coords_t, species_t, net_charge, chi_t):
    g_mol = _N_MOL // _MOL_BLK
    return pl.pallas_call(
        _coulomb_kernel,
        grid=(g_mol,),
        in_specs=[
            pl.BlockSpec((3, _N_ATOM, _MOL_BLK), lambda g: (0, 0, g)),
            pl.BlockSpec((_N_ATOM, _MOL_BLK), lambda g: (0, g)),
            pl.BlockSpec((1, _MOL_BLK), lambda g: (0, g)),
            pl.BlockSpec((_N_ATOM, _MOL_BLK), lambda g: (0, g)),
        ],
        out_specs=[
            pl.BlockSpec((_N_ATOM, _MOL_BLK), lambda g: (0, g)),
            pl.BlockSpec((_N_ATOM, _MOL_BLK), lambda g: (0, g)),
            pl.BlockSpec((1, _MOL_BLK), lambda g: (0, g)),
        ],
        out_shape=[
            jax.ShapeDtypeStruct((_N_ATOM, _N_MOL), jnp.float32),
            jax.ShapeDtypeStruct((_N_ATOM, _N_MOL), jnp.float32),
            jax.ShapeDtypeStruct((1, _N_MOL), jnp.float32),
        ],
    )(coords_t, species_t, net_charge.reshape(1, _N_MOL), chi_t)



def _ani_kernel(bs_ref, vc_ref, d_ref, pc_ref, esp_ref, waev_ref, baev_ref,
                w1_ref, w1pc_ref, w1esp_ref, b1_ref, w2_ref, b2_ref,
                w3_ref, b3_ref, w4_ref, b4_ref, coul_ref, out_ref):
    g = pl.program_id(0)
    d = d_ref[...]

    row_iota = lax.broadcasted_iota(jnp.int32, (_BLK_C, 1), 0)
    mid = jnp.where(row_iota < vc_ref[g], d[:, 3:4], _DUMMY_MOL)
    mol_iota = lax.broadcasted_iota(
        jnp.int32, (_BLK_C, _N_MOL), 1).astype(jnp.float32)
    oh_mol = jnp.where(mid == mol_iota, 1.0, 0.0)

    aid = d[:, 4:5]
    atom_iota = lax.broadcasted_iota(
        jnp.int32, (_BLK_C, _N_ATOM), 1).astype(jnp.float32)
    oh_atom = jnp.where(aid == atom_iota, 1.0, 0.0)
    mpc = jnp.dot(oh_mol, pc_ref[...], preferred_element_type=jnp.float32)
    mesp = jnp.dot(oh_mol, esp_ref[...], preferred_element_type=jnp.float32)
    pcv = jnp.sum(mpc * oh_atom, axis=1, keepdims=True)
    espv = jnp.sum(mesp * oh_atom, axis=1, keepdims=True)

    aev = _aev_from_cols(d[:, 0:1], d[:, 1:2], d[:, 2:3], waev_ref, baev_ref)
    h = (jnp.dot(aev, w1_ref[0], preferred_element_type=jnp.float32)
         + pcv * w1pc_ref[0] + espv * w1esp_ref[0] + b1_ref[0])
    h = _celu(h)
    h = _celu(jnp.dot(h, w2_ref[0], preferred_element_type=jnp.float32)
              + b2_ref[0])
    h = _celu(jnp.dot(h, w3_ref[0], preferred_element_type=jnp.float32)
              + b3_ref[0])
    o = jnp.dot(h, w4_ref[0], preferred_element_type=jnp.float32) + b4_ref[0]

    o_masked = jnp.where(row_iota < vc_ref[g], o, 0.0)
    contrib = jnp.dot(jnp.transpose(o_masked), oh_mol,
                      preferred_element_type=jnp.float32)

    @pl.when(g == 0)
    def _():
        out_ref[...] = coul_ref[...]
    out_ref[...] += contrib


def _run_ani(block_species, block_vcnt, data_pad, pc_am, esp_am, coul, params):
    w1 = jnp.stack([params["ani"][i][0][0] for i in range(_NSP)])
    b1 = jnp.stack([params["ani"][i][0][1] for i in range(_NSP)])[:, None, :]
    w2 = jnp.stack([params["ani"][i][1][0] for i in range(_NSP)])
    b2 = jnp.stack([params["ani"][i][1][1] for i in range(_NSP)])[:, None, :]
    w3 = jnp.stack([params["ani"][i][2][0] for i in range(_NSP)])
    b3 = jnp.stack([params["ani"][i][2][1] for i in range(_NSP)])[:, None, :]
    w4 = jnp.stack([params["ani"][i][3][0] for i in range(_NSP)])
    b4 = jnp.stack([params["ani"][i][3][1] for i in range(_NSP)])[:, None, :]
    w1a, w1pc, w1esp = w1[:, :_AEV, :], w1[:, _AEV:_AEV + 1, :], w1[:, _AEV + 1:, :]

    sel3 = lambda shape: pl.BlockSpec(
        (1,) + shape, lambda g, bs, vc: (bs[g], 0, 0))
    full = lambda shape: pl.BlockSpec(shape, lambda g, bs, vc: (0,) * len(shape))
    grid_spec = pltpu.PrefetchScalarGridSpec(
        num_scalar_prefetch=2,
        grid=(_NBLK,),
        in_specs=[
            pl.BlockSpec((_BLK_C, 8), lambda g, bs, vc: (g, 0)),
            full((_N_MOL, _N_ATOM)), full((_N_MOL, _N_ATOM)),
            full((3, _AEV)), full((1, _AEV)),
            sel3((_AEV, 160)), sel3((1, 160)), sel3((1, 160)), sel3((1, 160)),
            sel3((160, 128)), sel3((1, 128)),
            sel3((128, 96)), sel3((1, 96)),
            sel3((96, 1)), sel3((1, 1)),
            full((1, _N_MOL)),
        ],
        out_specs=pl.BlockSpec((1, _N_MOL), lambda g, bs, vc: (0, 0)),
    )
    return pl.pallas_call(
        _ani_kernel,
        grid_spec=grid_spec,
        out_shape=jax.ShapeDtypeStruct((1, _N_MOL), jnp.float32),
    )(block_species, block_vcnt, data_pad, pc_am, esp_am, params["W_aev"],
      params["b_aev"].reshape(1, _AEV),
      w1a, w1pc, w1esp, b1, w2, b2, w3, b3, w4, b4, coul)



_NC = 2
_NS = 16
_NW = _NC * _NS
_CHUNK = _ATOMS // _NW


def _scatter_body(dest_hbm, rows_hbm, pad_out, dest_v, rows_v, sem):
    wid = lax.axis_index("s") * _NC + lax.axis_index("c")
    base = wid * _CHUNK
    pltpu.sync_copy(dest_hbm.at[wid], dest_v)
    pltpu.sync_copy(rows_hbm.at[pl.ds(base, _CHUNK)], rows_v)
    for j in range(_CHUNK // 128):
        pltpu.async_copy(rows_v.at[pl.ds(j * 128, 128)],
                         pad_out.at[dest_v.at[j]], sem).wait()


def _route(species_flat, coords_flat):
    sp = species_flat
    oh = (sp[:, None] == jnp.arange(_NSP, dtype=jnp.int32)[None, :]
          ).astype(jnp.int32)
    counts = jnp.sum(oh, axis=0)
    padded = ((counts + _BLK_C - 1) // _BLK_C) * _BLK_C
    cum_pad = jnp.cumsum(padded)
    pad_start = cum_pad - padded
    rank = jnp.sum((jnp.cumsum(oh, axis=0) - oh) * oh, axis=1)
    dest = (pad_start[sp] + rank).reshape(_NW, _CHUNK // 128, 128)

    idx = jnp.arange(_ATOMS, dtype=jnp.int32)
    molid = (idx // _N_ATOM).astype(jnp.float32)
    aid = (idx % _N_ATOM).astype(jnp.float32)
    rows = jnp.concatenate([
        coords_flat, molid[:, None], aid[:, None],
        jnp.zeros((_ATOMS, 3), jnp.float32)], axis=1)

    mesh = plsc.VectorSubcoreMesh(core_axis_name="c", subcore_axis_name="s")
    data_pad = pl.kernel(
        _scatter_body,
        mesh=mesh,
        compiler_params=pltpu.CompilerParams(
            needs_layout_passes=False, use_tc_tiling_on_sc=False,
            skip_device_barrier=True),
        out_type=jax.ShapeDtypeStruct((_NPAD, 8), jnp.float32),
        scratch_types=[
            pltpu.VMEM((_CHUNK // 128, 128), jnp.int32),
            pltpu.VMEM((_CHUNK, 8), jnp.float32),
            pltpu.SemaphoreType.DMA,
        ],
    )(dest, rows)

    blk_start = jnp.arange(_NBLK, dtype=jnp.int32) * _BLK_C
    bs = jnp.clip(
        jnp.searchsorted(cum_pad, blk_start, side="right"), 0, _NSP - 1
    ).astype(jnp.int32)
    vcnt = jnp.clip(pad_start[bs] + counts[bs] - blk_start, 0, _BLK_C)
    return bs, vcnt.astype(jnp.int32), data_pad


def kernel(species, coordinates, net_charge, params):
    coords_flat = coordinates.reshape(_ATOMS, 3)
    chi_flat = _run_chi(coords_flat, params)
    chi_t = chi_flat.reshape(_N_MOL, _N_ATOM).T
    coords_t = coordinates.transpose(2, 1, 0)
    species_t = species.T
    pc_t, esp_t, coul = _run_coulomb(coords_t, species_t, net_charge, chi_t)

    pc = pc_t.T
    sp_flat = species.reshape(_ATOMS)
    block_species, block_vcnt, data_pad = _route(sp_flat, coords_flat)
    energies = _run_ani(block_species, block_vcnt, data_pad,
                        pc, esp_t.T, coul, params)
    return species, energies.reshape(_N_MOL), pc

# --- scband reference (transcript-rebuilt; emitter-appended) ---
"""Pipeline reference for scband-jqsanimodel-21878563406027 (READ-ONLY COPY).

The authoritative reference and input builder live on the scoring server;
editing this copy changes nothing except your own understanding.
"""

import jax, jax.numpy as jnp
import numpy as np

A0 = 0.529177249
SIGMA = jnp.array([0.5515909, 1.8886297, 1.3225029, 1.2316629, 2.1884933, 1.7750372, 1.3677907, 1.3820058], dtype=jnp.float32)
N_MOL, N_ATOM, AEV_LEN = 512, 32, 384
NET_DIMS = [160, 128, 96]
N_SPECIES = 8


def _init_linear(key, din, dout):
    k1, k2 = jax.random.split(key)
    lim = 1.0 / np.sqrt(din)
    W = jax.random.uniform(k1, (din, dout), minval=-lim, maxval=lim, dtype=jnp.float32)
    b = jax.random.uniform(k2, (dout,), minval=-lim, maxval=lim, dtype=jnp.float32)
    return (W, b)


def _init_atomic(key, din):
    dims = [din] + NET_DIMS + [1]
    keys = jax.random.split(key, 4)
    return tuple(_init_linear(keys[i], dims[i], dims[i + 1]) for i in range(4))


def _celu(x, alpha=0.1):
    return jnp.where(x > 0, x, alpha * (jnp.exp(x / alpha) - 1.0))


def _atomic_apply(params, x):
    for (W, b) in params[:3]:
        x = _celu(x @ W + b)
    W, b = params[3]
    return x @ W + b


def setup_inputs(seed: int = 0):
    key = jax.random.key(seed)
    ks = jax.random.split(key, 8)
    species = jax.random.randint(ks[0], (N_MOL, N_ATOM), 0, N_SPECIES, dtype=jnp.int32)
    coordinates = jax.random.normal(ks[1], (N_MOL, N_ATOM, 3), dtype=jnp.float32) * 3.0
    net_charge = jax.random.normal(ks[2], (N_MOL,), dtype=jnp.float32)
    W_aev = jax.random.normal(ks[3], (3, AEV_LEN), dtype=jnp.float32) * 0.1
    b_aev = jax.random.normal(ks[4], (AEV_LEN,), dtype=jnp.float32) * 0.01
    chi = _init_atomic(ks[5], AEV_LEN)
    ani = tuple(_init_atomic(jax.random.fold_in(ks[6], i), AEV_LEN + 2) for i in range(N_SPECIES))
    params = {"W_aev": W_aev, "b_aev": b_aev, "chi": chi, "ani": ani}
    return {"species": species, "coordinates": coordinates, "net_charge": net_charge, "params": params}


def _forward(species, coordinates, net_charge, params):
    N, n = species.shape
    # stub aev_computer: deterministic featurizer producing aev of length AEV_LEN
    aev = jnp.tanh(coordinates @ params["W_aev"] + params["b_aev"])
    # nonzero_batch_dmat
    diff = coordinates[:, None, :, :] - coordinates[:, :, None, :]
    distances = jnp.sqrt(jnp.sum(diff * diff, -1) + 1e-16) / A0
    padding_mask = (species != -1).astype(jnp.float32)
    pair_padding_mask = padding_mask[:, None, :] * padding_mask[:, :, None]
    num_atoms = padding_mask.sum(axis=1)
    species_ = species.reshape(-1)
    aev_flat = aev.reshape(-1, AEV_LEN)
    mask = (species_ != -1)
    chi_all = jax.nn.softplus(_atomic_apply(params["chi"], aev_flat).reshape(-1))
    chi = jnp.where(mask, chi_all, 0.0).reshape(N, n)
    k_net = 1.0 + jnp.abs(net_charge) / chi.sum(axis=-1)
    chi_mean = chi.sum(axis=-1) / num_atoms
    k_p = jnp.where(net_charge > 0, k_net, 1.0)
    k_n = jnp.where(net_charge < 0, k_net, 1.0)
    pred_charges = -k_n[:, None] * chi + (k_p * chi_mean)[:, None]
    pred_charges = pred_charges * padding_mask
    # ESPerf
    sig = SIGMA[species]
    sig_sqsum = sig[:, None, :] ** 2 + sig[:, :, None] ** 2
    sig_sqsum = jnp.maximum(sig_sqsum, 1e-08)
    j_ij = jax.scipy.special.erf(distances / jnp.sqrt(2.0 * sig_sqsum)) / distances
    esp_mat = pred_charges[:, :, None] * j_ij
    diag_mask = (1.0 - jnp.eye(n, dtype=jnp.float32))[None, :, :]
    esp = (esp_mat * pair_padding_mask * diag_mask).sum(axis=-2)
    coulomb_energy = 0.5 * (pred_charges * esp).sum(axis=-1)
    aev_cat = jnp.concatenate([aev_flat, pred_charges.reshape(-1, 1), esp.reshape(-1, 1)], axis=1)
    output = jnp.zeros((N * n,), dtype=jnp.float32)
    for i in range(N_SPECIES):
        m = (species_ == i)
        out_i = _atomic_apply(params["ani"][i], aev_cat).reshape(-1)
        output = jnp.where(m, out_i, output)
    output = output.reshape(N, n)
    mol_energy = output.sum(axis=1)
    return species, mol_energy + coulomb_energy, pred_charges


def reference(species, coordinates, net_charge, params):
    return _forward(species, coordinates, net_charge, params)

if __name__ == "__main__":
    import jax
    _d = setup_inputs()
    print(jax.jit(kernel)(*tuple(_d.values())))

</pallas_src>

<mosaic_0001>
#map = affine_map<(d0, d1) -> (0, 0, 0)>
#map1 = affine_map<(d0, d1) -> (0, 0)>
module attributes {stable_mosaic.version = 14 : i64} {
  func.func @_scatter_body(%arg0: i32, %arg1: i32, %arg2: memref<32x4x128xi32, #tpu.memory_space<hbm>>, %arg3: memref<16384x8xf32, #tpu.memory_space<hbm>>, %arg4: memref<24576x8xf32, #tpu.memory_space<hbm>>, %arg5: memref<4x128xi32, #tpu.memory_space<vmem>>, %arg6: memref<512x8xf32, #tpu.memory_space<vmem>>, %arg7: memref<!tpu.dma_semaphore, #tpu.memory_space<semaphore_mem>>) attributes {dimension_semantics = [#tpu.dimension_semantics<core_parallel>, #tpu.dimension_semantics<subcore_parallel>], iteration_bounds = array<i64: 2, 16>, scalar_prefetch = 0 : i64, scratch_operands = 3 : i64, tpu.core_type = #tpu.core_type<sc_vector_subcore>, window_params = [{transform_indices = #map}, {transform_indices = #map1}, {transform_indices = #map1}]} {
    %mul3A = arith.constant 2 : i32
    %mul3A_0 = arith.muli %arg1, %mul3A : i32
    %add3A = arith.addi %mul3A_0, %arg0 : i32
    %mul3A_1 = arith.constant 512 : i32
    %mul3A_2 = arith.muli %add3A, %mul3A_1 : i32
    "tpu.region"() ({
      %run_scoped3A = tpu.sem_alloc : memref<!tpu.dma_semaphore, #tpu.memory_space<semaphore_mem>>
      %dma_start3A_81 = arith.constant 0 : i32
      %dma_start3A_82 = arith.constant 0 : i32
      %dma_start3A_83 = tpu.memref_slice %arg2[%add3A, %dma_start3A_81, %dma_start3A_82] : memref<32x4x128xi32, #tpu.memory_space<hbm>> -> memref<1x4x128xi32, #tpu.memory_space<hbm>>
      %dma_start3A_84 = tpu.memref_squeeze %dma_start3A_83 : memref<1x4x128xi32, #tpu.memory_space<hbm>> -> memref<4x128xi32, #tpu.memory_space<hbm>>
      %dma_start3A_85 = arith.constant 0 : i32
      %dma_start3A_86 = arith.constant 0 : i32
      %dma_start3A_87 = tpu.memref_slice %arg2[%add3A, %dma_start3A_85, %dma_start3A_86] : memref<32x4x128xi32, #tpu.memory_space<hbm>> -> memref<1x4x128xi32, #tpu.memory_space<hbm>>
      %dma_start3A_88 = tpu.memref_squeeze %dma_start3A_87 : memref<1x4x128xi32, #tpu.memory_space<hbm>> -> memref<4x128xi32, #tpu.memory_space<hbm>>
      tpu.enqueue_dma source(%dma_start3A_88 : memref<4x128xi32, #tpu.memory_space<hbm>>) target(%arg5 : memref<4x128xi32, #tpu.memory_space<vmem>>) target_semaphore(%run_scoped3A : memref<!tpu.dma_semaphore, #tpu.memory_space<semaphore_mem>>)
      %dma_wait3A_89 = arith.constant 0 : i32
      %dma_wait3A_90 = arith.constant 0 : i32
      %dma_wait3A_91 = tpu.memref_slice %arg2[%add3A, %dma_wait3A_89, %dma_wait3A_90] : memref<32x4x128xi32, #tpu.memory_space<hbm>> -> memref<1x4x128xi32, #tpu.memory_space<hbm>>
      %dma_wait3A_92 = tpu.memref_squeeze %dma_wait3A_91 : memref<1x4x128xi32, #tpu.memory_space<hbm>> -> memref<4x128xi32, #tpu.memory_space<hbm>>
      %dma_wait3A_93 = arith.constant 0 : i32
      %dma_wait3A_94 = arith.constant 0 : i32
      %dma_wait3A_95 = tpu.memref_slice %arg2[%add3A, %dma_wait3A_93, %dma_wait3A_94] : memref<32x4x128xi32, #tpu.memory_space<hbm>> -> memref<1x4x128xi32, #tpu.memory_space<hbm>>
      %dma_wait3A_96 = tpu.memref_squeeze %dma_wait3A_95 : memref<1x4x128xi32, #tpu.memory_space<hbm>> -> memref<4x128xi32, #tpu.memory_space<hbm>>
      tpu.wait_dma2 semaphore(%run_scoped3A : memref<!tpu.dma_semaphore, #tpu.memory_space<semaphore_mem>>) src(%dma_wait3A_96 : memref<4x128xi32, #tpu.memory_space<hbm>>) dst(%arg5 : memref<4x128xi32, #tpu.memory_space<vmem>>)
      tpu.yield
    }) : () -> ()
    "tpu.region"() ({
      %run_scoped3A = tpu.sem_alloc : memref<!tpu.dma_semaphore, #tpu.memory_space<semaphore_mem>>
      %dma_start3A_81 = arith.constant 0 : i32
      %dma_start3A_82 = tpu.memref_slice %arg3[%mul3A_2, %dma_start3A_81] : memref<16384x8xf32, #tpu.memory_space<hbm>> -> memref<512x8xf32, #tpu.memory_space<hbm>>
      %dma_start3A_83 = arith.constant 0 : i32
      %dma_start3A_84 = tpu.memref_slice %arg3[%mul3A_2, %dma_start3A_83] : memref<16384x8xf32, #tpu.memory_space<hbm>> -> memref<512x8xf32, #tpu.memory_space<hbm>>
      tpu.enqueue_dma source(%dma_start3A_84 : memref<512x8xf32, #tpu.memory_space<hbm>>) target(%arg6 : memref<512x8xf32, #tpu.memory_space<vmem>>) target_semaphore(%run_scoped3A : memref<!tpu.dma_semaphore, #tpu.memory_space<semaphore_mem>>)
      %dma_wait3A_85 = arith.constant 0 : i32
      %dma_wait3A_86 = tpu.memref_slice %arg3[%mul3A_2, %dma_wait3A_85] : memref<16384x8xf32, #tpu.memory_space<hbm>> -> memref<512x8xf32, #tpu.memory_space<hbm>>
      %dma_wait3A_87 = arith.constant 0 : i32
      %dma_wait3A_88 = tpu.memref_slice %arg3[%mul3A_2, %dma_wait3A_87] : memref<16384x8xf32, #tpu.memory_space<hbm>> -> memref<512x8xf32, #tpu.memory_space<hbm>>
      tpu.wait_dma2 semaphore(%run_scoped3A : memref<!tpu.dma_semaphore, #tpu.memory_space<semaphore_mem>>) src(%dma_wait3A_88 : memref<512x8xf32, #tpu.memory_space<hbm>>) dst(%arg6 : memref<512x8xf32, #tpu.memory_space<vmem>>)
      tpu.yield
    }) : () -> ()
    %dma_start3A = arith.constant 0 : i32
    %dma_start3A_3 = arith.constant 0 : i32
    %dma_start3A_4 = arith.constant 0 : i32
    %dma_start3A_5 = tpu.memref_slice %arg6[%dma_start3A_3, %dma_start3A_4] : memref<512x8xf32, #tpu.memory_space<vmem>> -> memref<128x8xf32, #tpu.memory_space<vmem>>
    %dma_start3A_6 = arith.constant 0 : i32
    %dma_start3A_7 = tpu.memref_slice %arg5[%dma_start3A, %dma_start3A_6] : memref<4x128xi32, #tpu.memory_space<vmem>> -> memref<1x128xi32, #tpu.memory_space<vmem>>
    %dma_start3A_8 = tpu.memref_squeeze %dma_start3A_7 : memref<1x128xi32, #tpu.memory_space<vmem>> -> memref<128xi32, #tpu.memory_space<vmem>>
    %dma_start3A_9 = arith.constant 0 : i32
    %dma_start3A_10 = arith.constant 0 : i32
    %dma_start3A_11 = tpu.memref_slice %arg4[%dma_start3A_9, %dma_start3A_10] : memref<24576x8xf32, #tpu.memory_space<hbm>> -> memref<24576x8xf32, #tpu.memory_space<hbm>>
    tpu.enqueue_indirect_dma source(%dma_start3A_5 : memref<128x8xf32, #tpu.memory_space<vmem>>) target(%dma_start3A_11 : memref<24576x8xf32, #tpu.memory_space<hbm>>) offsets(%dma_start3A_8 : memref<128xi32, #tpu.memory_space<vmem>>) semaphore(%arg7 : memref<!tpu.dma_semaphore, #tpu.memory_space<semaphore_mem>>)
    %dma_wait3A = arith.constant 0 : i32
    %dma_wait3A_12 = arith.constant 0 : i32
    %dma_wait3A_13 = arith.constant 0 : i32
    %dma_wait3A_14 = tpu.memref_slice %arg6[%dma_wait3A_12, %dma_wait3A_13] : memref<512x8xf32, #tpu.memory_space<vmem>> -> memref<128x8xf32, #tpu.memory_space<vmem>>
    %dma_wait3A_15 = arith.constant 0 : i32
    %dma_wait3A_16 = tpu.memref_slice %arg5[%dma_wait3A, %dma_wait3A_15] : memref<4x128xi32, #tpu.memory_space<vmem>> -> memref<1x128xi32, #tpu.memory_space<vmem>>
    %dma_wait3A_17 = tpu.memref_squeeze %dma_wait3A_16 : memref<1x128xi32, #tpu.memory_space<vmem>> -> memref<128xi32, #tpu.memory_space<vmem>>
    %dma_wait3A_18 = arith.constant 0 : i32
    %dma_wait3A_19 = arith.constant 0 : i32
    %dma_wait3A_20 = tpu.memref_slice %arg4[%dma_wait3A_18, %dma_wait3A_19] : memref<24576x8xf32, #tpu.memory_space<hbm>> -> memref<24576x8xf32, #tpu.memory_space<hbm>>
    tpu.wait_indirect_dma semaphore(%arg7 : memref<!tpu.dma_semaphore, #tpu.memory_space<semaphore_mem>>) src(%dma_wait3A_14 : memref<128x8xf32, #tpu.memory_space<vmem>>) dst(%dma_wait3A_20 : memref<24576x8xf32, #tpu.memory_space<hbm>>)
    %dma_start3A_21 = arith.constant 1 : i32
    %dma_start3A_22 = arith.constant 128 : i32
    %dma_start3A_23 = arith.constant 0 : i32
    %dma_start3A_24 = tpu.memref_slice %arg6[%dma_start3A_22, %dma_start3A_23] : memref<512x8xf32, #tpu.memory_space<vmem>> -> memref<128x8xf32, #tpu.memory_space<vmem>>
    %dma_start3A_25 = arith.constant 0 : i32
    %dma_start3A_26 = tpu.memref_slice %arg5[%dma_start3A_21, %dma_start3A_25] : memref<4x128xi32, #tpu.memory_space<vmem>> -> memref<1x128xi32, #tpu.memory_space<vmem>>
    %dma_start3A_27 = tpu.memref_squeeze %dma_start3A_26 : memref<1x128xi32, #tpu.memory_space<vmem>> -> memref<128xi32, #tpu.memory_space<vmem>>
    %dma_start3A_28 = arith.constant 0 : i32
    %dma_start3A_29 = arith.constant 0 : i32
    %dma_start3A_30 = tpu.memref_slice %arg4[%dma_start3A_28, %dma_start3A_29] : memref<24576x8xf32, #tpu.memory_space<hbm>> -> memref<24576x8xf32, #tpu.memory_space<hbm>>
    tpu.enqueue_indirect_dma source(%dma_start3A_24 : memref<128x8xf32, #tpu.memory_space<vmem>>) target(%dma_start3A_30 : memref<24576x8xf32, #tpu.memory_space<hbm>>) offsets(%dma_start3A_27 : memref<128xi32, #tpu.memory_space<vmem>>) semaphore(%arg7 : memref<!tpu.dma_semaphore, #tpu.memory_space<semaphore_mem>>)
    %dma_wait3A_31 = arith.constant 1 : i32
    %dma_wait3A_32 = arith.constant 128 : i32
    %dma_wait3A_33 = arith.constant 0 : i32
    %dma_wait3A_34 = tpu.memref_slice %arg6[%dma_wait3A_32, %dma_wait3A_33] : memref<512x8xf32, #tpu.memory_space<vmem>> -> memref<128x8xf32, #tpu.memory_space<vmem>>
    %dma_wait3A_35 = arith.constant 0 : i32
    %dma_wait3A_36 = tpu.memref_slice %arg5[%dma_wait3A_31, %dma_wait3A_35] : memref<4x128xi32, #tpu.memory_space<vmem>> -> memref<1x128xi32, #tpu.memory_space<vmem>>
    %dma_wait3A_37 = tpu.memref_squeeze %dma_wait3A_36 : memref<1x128xi32, #tpu.memory_space<vmem>> -> memref<128xi32, #tpu.memory_space<vmem>>
    %dma_wait3A_38 = arith.constant 0 : i32
    %dma_wait3A_39 = arith.constant 0 : i32
    %dma_wait3A_40 = tpu.memref_slice %arg4[%dma_wait3A_38, %dma_wait3A_39] : memref<24576x8xf32, #tpu.memory_space<hbm>> -> memref<24576x8xf32, #tpu.memory_space<hbm>>
    tpu.wait_indirect_dma semaphore(%arg7 : memref<!tpu.dma_semaphore, #tpu.memory_space<semaphore_mem>>) src(%dma_wait3A_34 : memref<128x8xf32, #tpu.memory_space<vmem>>) dst(%dma_wait3A_40 : memref<24576x8xf32, #tpu.memory_space<hbm>>)
    %dma_start3A_41 = arith.constant 2 : i32
    %dma_start3A_42 = arith.constant 256 : i32
    %dma_start3A_43 = arith.constant 0 : i32
    %dma_start3A_44 = tpu.memref_slice %arg6[%dma_start3A_42, %dma_start3A_43] : memref<512x8xf32, #tpu.memory_space<vmem>> -> memref<128x8xf32, #tpu.memory_space<vmem>>
    %dma_start3A_45 = arith.constant 0 : i32
    %dma_start3A_46 = tpu.memref_slice %arg5[%dma_start3A_41, %dma_start3A_45] : memref<4x128xi32, #tpu.memory_space<vmem>> -> memref<1x128xi32, #tpu.memory_space<vmem>>
    %dma_start3A_47 = tpu.memref_squeeze %dma_start3A_46 : memref<1x128xi32, #tpu.memory_space<vmem>> -> memref<128xi32, #tpu.memory_space<vmem>>
    %dma_start3A_48 = arith.constant 0 : i32
    %dma_start3A_49 = arith.constant 0 : i32
    %dma_start3A_50 = tpu.memref_slice %arg4[%dma_start3A_48, %dma_start3A_49] : memref<24576x8xf32, #tpu.memory_space<hbm>> -> memref<24576x8xf32, #tpu.memory_space<hbm>>
    tpu.enqueue_indirect_dma source(%dma_start3A_44 : memref<128x8xf32, #tpu.memory_space<vmem>>) target(%dma_start3A_50 : memref<24576x8xf32, #tpu.memory_space<hbm>>) offsets(%dma_start3A_47 : memref<128xi32, #tpu.memory_space<vmem>>) semaphore(%arg7 : memref<!tpu.dma_semaphore, #tpu.memory_space<semaphore_mem>>)
    %dma_wait3A_51 = arith.constant 2 : i32
    %dma_wait3A_52 = arith.constant 256 : i32
    %dma_wait3A_53 = arith.constant 0 : i32
    %dma_wait3A_54 = tpu.memref_slice %arg6[%dma_wait3A_52, %dma_wait3A_53] : memref<512x8xf32, #tpu.memory_space<vmem>> -> memref<128x8xf32, #tpu.memory_space<vmem>>
    %dma_wait3A_55 = arith.constant 0 : i32
    %dma_wait3A_56 = tpu.memref_slice %arg5[%dma_wait3A_51, %dma_wait3A_55] : memref<4x128xi32, #tpu.memory_space<vmem>> -> memref<1x128xi32, #tpu.memory_space<vmem>>
    %dma_wait3A_57 = tpu.memref_squeeze %dma_wait3A_56 : memref<1x128xi32, #tpu.memory_space<vmem>> -> memref<128xi32, #tpu.memory_space<vmem>>
    %dma_wait3A_58 = arith.constant 0 : i32
    %dma_wait3A_59 = arith.constant 0 : i32
    %dma_wait3A_60 = tpu.memref_slice %arg4[%dma_wait3A_58, %dma_wait3A_59] : memref<24576x8xf32, #tpu.memory_space<hbm>> -> memref<24576x8xf32, #tpu.memory_space<hbm>>
    tpu.wait_indirect_dma semaphore(%arg7 : memref<!tpu.dma_semaphore, #tpu.memory_space<semaphore_mem>>) src(%dma_wait3A_54 : memref<128x8xf32, #tpu.memory_space<vmem>>) dst(%dma_wait3A_60 : memref<24576x8xf32, #tpu.memory_space<hbm>>)
    %dma_start3A_61 = arith.constant 3 : i32
    %dma_start3A_62 = arith.constant 384 : i32
    %dma_start3A_63 = arith.constant 0 : i32
    %dma_start3A_64 = tpu.memref_slice %arg6[%dma_start3A_62, %dma_start3A_63] : memref<512x8xf32, #tpu.memory_space<vmem>> -> memref<128x8xf32, #tpu.memory_space<vmem>>
    %dma_start3A_65 = arith.constant 0 : i32
    %dma_start3A_66 = tpu.memref_slice %arg5[%dma_start3A_61, %dma_start3A_65] : memref<4x128xi32, #tpu.memory_space<vmem>> -> memref<1x128xi32, #tpu.memory_space<vmem>>
    %dma_start3A_67 = tpu.memref_squeeze %dma_start3A_66 : memref<1x128xi32, #tpu.memory_space<vmem>> -> memref<128xi32, #tpu.memory_space<vmem>>
    %dma_start3A_68 = arith.constant 0 : i32
    %dma_start3A_69 = arith.constant 0 : i32
    %dma_start3A_70 = tpu.memref_slice %arg4[%dma_start3A_68, %dma_start3A_69] : memref<24576x8xf32, #tpu.memory_space<hbm>> -> memref<24576x8xf32, #tpu.memory_space<hbm>>
    tpu.enqueue_indirect_dma source(%dma_start3A_64 : memref<128x8xf32, #tpu.memory_space<vmem>>) target(%dma_start3A_70 : memref<24576x8xf32, #tpu.memory_space<hbm>>) offsets(%dma_start3A_67 : memref<128xi32, #tpu.memory_space<vmem>>) semaphore(%arg7 : memref<!tpu.dma_semaphore, #tpu.memory_space<semaphore_mem>>)
    %dma_wait3A_71 = arith.constant 3 : i32
    %dma_wait3A_72 = arith.constant 384 : i32
    %dma_wait3A_73 = arith.constant 0 : i32
    %dma_wait3A_74 = tpu.memref_slice %arg6[%dma_wait3A_72, %dma_wait3A_73] : memref<512x8xf32, #tpu.memory_space<vmem>> -> memref<128x8xf32, #tpu.memory_space<vmem>>
    %dma_wait3A_75 = arith.constant 0 : i32
    %dma_wait3A_76 = tpu.memref_slice %arg5[%dma_wait3A_71, %dma_wait3A_75] : memref<4x128xi32, #tpu.memory_space<vmem>> -> memref<1x128xi32, #tpu.memory_space<vmem>>
    %dma_wait3A_77 = tpu.memref_squeeze %dma_wait3A_76 : memref<1x128xi32, #tpu.memory_space<vmem>> -> memref<128xi32, #tpu.memory_space<vmem>>
    %dma_wait3A_78 = arith.constant 0 : i32
    %dma_wait3A_79 = arith.constant 0 : i32
    %dma_wait3A_80 = tpu.memref_slice %arg4[%dma_wait3A_78, %dma_wait3A_79] : memref<24576x8xf32, #tpu.memory_space<hbm>> -> memref<24576x8xf32, #tpu.memory_space<hbm>>
    tpu.wait_indirect_dma semaphore(%arg7 : memref<!tpu.dma_semaphore, #tpu.memory_space<semaphore_mem>>) src(%dma_wait3A_74 : memref<128x8xf32, #tpu.memory_space<vmem>>) dst(%dma_wait3A_80 : memref<24576x8xf32, #tpu.memory_space<hbm>>)
    return
  }
}

module attributes {stable_mosaic.version = 14 : i64} {
  func.func @_chi_kernel(%arg0: i32, %arg1: memref<4096x3xf32, #tpu.memory_space<vmem>>, %arg2: memref<3x384xf32, #tpu.memory_space<vmem>>, %arg3: memref<1x384xf32, #tpu.memory_space<vmem>>, %arg4: memref<384x160xf32, #tpu.memory_space<vmem>>, %arg5: memref<1x160xf32, #tpu.memory_space<vmem>>, %arg6: memref<160x128xf32, #tpu.memory_space<vmem>>, %arg7: memref<1x128xf32, #tpu.memory_space<vmem>>, %arg8: memref<128x96xf32, #tpu.memory_space<vmem>>, %arg9: memref<1x96xf32, #tpu.memory_space<vmem>>, %arg10: memref<96x1xf32, #tpu.memory_space<vmem>>, %arg11: memref<1x1xf32, #tpu.memory_space<vmem>>, %arg12: memref<4096x1xf32, #tpu.memory_space<vmem>>) attributes {dimension_semantics = [#tpu.dimension_semantics<arbitrary>], iteration_bounds = array<i64: 4>, scalar_prefetch = 0 : i64, scratch_operands = 0 : i64, tpu.core_type = #tpu.core_type<tc>, window_params = [{transform_indices = @transform_0, window_bounds = array<i64: 4096, 3>}, {pipeline_mode = #tpu.pipeline_mode<synchronous>, transform_indices = @transform_1, window_bounds = array<i64: 3, 384>}, {pipeline_mode = #tpu.pipeline_mode<synchronous>, transform_indices = @transform_2, window_bounds = array<i64: 1, 384>}, {pipeline_mode = #tpu.pipeline_mode<synchronous>, transform_indices = @transform_3, window_bounds = array<i64: 384, 160>}, {pipeline_mode = #tpu.pipeline_mode<synchronous>, transform_indices = @transform_4, window_bounds = array<i64: 1, 160>}, {pipeline_mode = #tpu.pipeline_mode<synchronous>, transform_indices = @transform_5, window_bounds = array<i64: 160, 128>}, {pipeline_mode = #tpu.pipeline_mode<synchronous>, transform_indices = @transform_6, window_bounds = array<i64: 1, 128>}, {pipeline_mode = #tpu.pipeline_mode<synchronous>, transform_indices = @transform_7, window_bounds = array<i64: 128, 96>}, {pipeline_mode = #tpu.pipeline_mode<synchronous>, transform_indices = @transform_8, window_bounds = array<i64: 1, 96>}, {pipeline_mode = #tpu.pipeline_mode<synchronous>, transform_indices = @transform_9, window_bounds = array<i64: 96, 1>}, {pipeline_mode = #tpu.pipeline_mode<synchronous>, transform_indices = @transform_10, window_bounds = array<i64: 1, 1>}, {transform_indices = @transform_11, window_bounds = array<i64: 4096, 1>}]} {
    %get3A = arith.constant 0 : index
    %get3A_0 = arith.constant 0 : index
    %get3A_1 = vector.load %arg1[%get3A, %get3A_0] : memref<4096x3xf32, #tpu.memory_space<vmem>>, vector<4096x3xf32>
    %slice3A = vector.extract_strided_slice %get3A_1 {offsets = [0, 0], sizes = [4096, 1], strides = [1, 1]} : vector<4096x3xf32> to vector<4096x1xf32>
    %slice3A_2 = vector.extract_strided_slice %get3A_1 {offsets = [0, 1], sizes = [4096, 1], strides = [1, 1]} : vector<4096x3xf32> to vector<4096x1xf32>
    %slice3A_3 = vector.extract_strided_slice %get3A_1 {offsets = [0, 2], sizes = [4096, 1], strides = [1, 1]} : vector<4096x3xf32> to vector<4096x1xf32>
    %get3A_4 = arith.constant 0 : index
    %get3A_5 = arith.constant 0 : index
    %get3A_6 = vector.load %arg2[%get3A_4, %get3A_5] : memref<3x384xf32, #tpu.memory_space<vmem>>, vector<1x384xf32>
    %mul3A = vector.broadcast %slice3A : vector<4096x1xf32> to vector<4096x384xf32>
    %mul3A_7 = vector.broadcast %get3A_6 : vector<1x384xf32> to vector<4096x384xf32>
    %mul3A_8 = arith.mulf %mul3A, %mul3A_7 : vector<4096x384xf32>
    %get3A_9 = arith.constant 1 : index
    %get3A_10 = arith.constant 0 : index
    %get3A_11 = vector.load %arg2[%get3A_9, %get3A_10] : memref<3x384xf32, #tpu.memory_space<vmem>>, vector<1x384xf32>
    %mul3A_12 = vector.broadcast %slice3A_2 : vector<4096x1xf32> to vector<4096x384xf32>
    %mul3A_13 = vector.broadcast %get3A_11 : vector<1x384xf32> to vector<4096x384xf32>
    %mul3A_14 = arith.mulf %mul3A_12, %mul3A_13 : vector<4096x384xf32>
    %add3A = arith.addf %mul3A_8, %mul3A_14 : vector<4096x384xf32>
    %get3A_15 = arith.constant 2 : index
    %get3A_16 = arith.constant 0 : index
    %get3A_17 = vector.load %arg2[%get3A_15, %get3A_16] : memref<3x384xf32, #tpu.memory_space<vmem>>, vector<1x384xf32>
    %mul3A_18 = vector.broadcast %slice3A_3 : vector<4096x1xf32> to vector<4096x384xf32>
    %mul3A_19 = vector.broadcast %get3A_17 : vector<1x384xf32> to vector<4096x384xf32>
    %mul3A_20 = arith.mulf %mul3A_18, %mul3A_19 : vector<4096x384xf32>
    %add3A_21 = arith.addf %add3A, %mul3A_20 : vector<4096x384xf32>
    %get3A_22 = arith.constant 0 : index
    %get3A_23 = arith.constant 0 : index
    %get3A_24 = vector.load %arg3[%get3A_22, %get3A_23] : memref<1x384xf32, #tpu.memory_space<vmem>>, vector<1x384xf32>
    %add3A_25 = vector.broadcast %get3A_24 : vector<1x384xf32> to vector<4096x384xf32>
    %add3A_26 = arith.addf %add3A_21, %add3A_25 : vector<4096x384xf32>
    %tanh3A = math.tanh %add3A_26 : vector<4096x384xf32>
    %get3A_27 = arith.constant 0 : index
    %get3A_28 = arith.constant 0 : index
    %get3A_29 = vector.load %arg4[%get3A_27, %get3A_28] : memref<384x160xf32, #tpu.memory_space<vmem>>, vector<384x160xf32>
    %dot_general3A = arith.constant dense<0.000000e+00> : vector<4096x160xf32>
    %dot_general3A_30 = tpu.matmul %tanh3A, %get3A_29, %dot_general3A {dimension_numbers = #tpu.dot_dimension_numbers<[1], [0], [0], [1], [0, 0, 1, 1], [], []>, transpose_lhs_hint = false} : vector<4096x384xf32>, vector<384x160xf32>, vector<4096x160xf32> -> vector<4096x160xf32>
    %get3A_31 = arith.constant 0 : index
    %get3A_32 = arith.constant 0 : index
    %get3A_33 = vector.load %arg5[%get3A_31, %get3A_32] : memref<1x160xf32, #tpu.memory_space<vmem>>, vector<1x160xf32>
    %add3A_34 = vector.broadcast %get3A_33 : vector<1x160xf32> to vector<4096x160xf32>
    %add3A_35 = arith.addf %dot_general3A_30, %add3A_34 : vector<4096x160xf32>
    %gt3A = arith.constant 0.000000e+00 : f32
    %gt3A_36 = vector.broadcast %gt3A : f32 to vector<4096x160xf32>
    %gt3A_37 = arith.cmpf ogt, %add3A_35, %gt3A_36 : vector<4096x160xf32>
    %div3A = arith.constant 1.000000e-01 : f32
    %div3A_38 = vector.broadcast %div3A : f32 to vector<4096x160xf32>
    %div3A_39 = arith.divf %add3A_35, %div3A_38 : vector<4096x160xf32>
    %exp3A = math.exp %div3A_39 : vector<4096x160xf32>
    %sub3A = arith.constant 1.000000e+00 : f32
    %sub3A_40 = vector.broadcast %sub3A : f32 to vector<4096x160xf32>
    %sub3A_41 = arith.subf %exp3A, %sub3A_40 : vector<4096x160xf32>
    %mul3A_42 = arith.constant 1.000000e-01 : f32
    %mul3A_43 = vector.broadcast %mul3A_42 : f32 to vector<4096x160xf32>
    %mul3A_44 = arith.mulf %mul3A_43, %sub3A_41 : vector<4096x160xf32>
    %select_n3A = arith.select %gt3A_37, %add3A_35, %mul3A_44 : vector<4096x160xi1>, vector<4096x160xf32>
    %get3A_45 = arith.constant 0 : index
    %get3A_46 = arith.constant 0 : index
    %get3A_47 = vector.load %arg6[%get3A_45, %get3A_46] : memref<160x128xf32, #tpu.memory_space<vmem>>, vector<160x128xf32>
    %dot_general3A_48 = arith.constant dense<0.000000e+00> : vector<4096x128xf32>
    %dot_general3A_49 = tpu.matmul %select_n3A, %get3A_47, %dot_general3A_48 {dimension_numbers = #tpu.dot_dimension_numbers<[1], [0], [0], [1], [0, 0, 1, 1], [], []>, transpose_lhs_hint = false} : vector<4096x160xf32>, vector<160x128xf32>, vector<4096x128xf32> -> vector<4096x128xf32>
    %get3A_50 = arith.constant 0 : index
    %get3A_51 = arith.constant 0 : index
    %get3A_52 = vector.load %arg7[%get3A_50, %get3A_51] : memref<1x128xf32, #tpu.memory_space<vmem>>, vector<1x128xf32>
    %add3A_53 = vector.broadcast %get3A_52 : vector<1x128xf32> to vector<4096x128xf32>
    %add3A_54 = arith.addf %dot_general3A_49, %add3A_53 : vector<4096x128xf32>
    %gt3A_55 = arith.constant 0.000000e+00 : f32
    %gt3A_56 = vector.broadcast %gt3A_55 : f32 to vector<4096x128xf32>
    %gt3A_57 = arith.cmpf ogt, %add3A_54, %gt3A_56 : vector<4096x128xf32>
    %div3A_58 = arith.constant 1.000000e-01 : f32
    %div3A_59 = vector.broadcast %div3A_58 : f32 to vector<4096x128xf32>
    %div3A_60 = arith.divf %add3A_54, %div3A_59 : vector<4096x128xf32>
    %exp3A_61 = math.exp %div3A_60 : vector<4096x128xf32>
    %sub3A_62 = arith.constant 1.000000e+00 : f32
    %sub3A_63 = vector.broadcast %sub3A_62 : f32 to vector<4096x128xf32>
    %sub3A_64 = arith.subf %exp3A_61, %sub3A_63 : vector<4096x128xf32>
    %mul3A_65 = arith.constant 1.000000e-01 : f32
    %mul3A_66 = vector.broadcast %mul3A_65 : f32 to vector<4096x128xf32>
    %mul3A_67 = arith.mulf %mul3A_66, %sub3A_64 : vector<4096x128xf32>
    %select_n3A_68 = arith.select %gt3A_57, %add3A_54, %mul3A_67 : vector<4096x128xi1>, vector<4096x128xf32>
    %get3A_69 = arith.constant 0 : index
    %get3A_70 = arith.constant 0 : index
    %get3A_71 = vector.load %arg8[%get3A_69, %get3A_70] : memref<128x96xf32, #tpu.memory_space<vmem>>, vector<128x96xf32>
    %dot_general3A_72 = arith.constant dense<0.000000e+00> : vector<4096x96xf32>
    %dot_general3A_73 = tpu.matmul %select_n3A_68, %get3A_71, %dot_general3A_72 {dimension_numbers = #tpu.dot_dimension_numbers<[1], [0], [0], [1], [0, 0, 1, 1], [], []>, transpose_lhs_hint = false} : vector<4096x128xf32>, vector<128x96xf32>, vector<4096x96xf32> -> vector<4096x96xf32>
    %get3A_74 = arith.constant 0 : index
    %get3A_75 = arith.constant 0 : index
    %get3A_76 = vector.load %arg9[%get3A_74, %get3A_75] : memref<1x96xf32, #tpu.memory_space<vmem>>, vector<1x96xf32>
    %add3A_77 = vector.broadcast %get3A_76 : vector<1x96xf32> to vector<4096x96xf32>
    %add3A_78 = arith.addf %dot_general3A_73, %add3A_77 : vector<4096x96xf32>
    %gt3A_79 = arith.constant 0.000000e+00 : f32
    %gt3A_80 = vector.broadcast %gt3A_79 : f32 to vector<4096x96xf32>
    %gt3A_81 = arith.cmpf ogt, %add3A_78, %gt3A_80 : vector<4096x96xf32>
    %div3A_82 = arith.constant 1.000000e-01 : f32
    %div3A_83 = vector.broadcast %div3A_82 : f32 to vector<4096x96xf32>
    %div3A_84 = arith.divf %add3A_78, %div3A_83 : vector<4096x96xf32>
    %exp3A_85 = math.exp %div3A_84 : vector<4096x96xf32>
    %sub3A_86 = arith.constant 1.000000e+00 : f32
    %sub3A_87 = vector.broadcast %sub3A_86 : f32 to vector<4096x96xf32>
    %sub3A_88 = arith.subf %exp3A_85, %sub3A_87 : vector<4096x96xf32>
    %mul3A_89 = arith.constant 1.000000e-01 : f32
    %mul3A_90 = vector.broadcast %mul3A_89 : f32 to vector<4096x96xf32>
    %mul3A_91 = arith.mulf %mul3A_90, %sub3A_88 : vector<4096x96xf32>
    %select_n3A_92 = arith.select %gt3A_81, %add3A_78, %mul3A_91 : vector<4096x96xi1>, vector<4096x96xf32>
    %get3A_93 = arith.constant 0 : index
    %get3A_94 = arith.constant 0 : index
    %get3A_95 = vector.load %arg10[%get3A_93, %get3A_94] : memref<96x1xf32, #tpu.memory_space<vmem>>, vector<96x1xf32>
    %dot_general3A_96 = arith.constant dense<0.000000e+00> : vector<4096x1xf32>
    %dot_general3A_97 = tpu.matmul %select_n3A_92, %get3A_95, %dot_general3A_96 {dimension_numbers = #tpu.dot_dimension_numbers<[1], [0], [0], [1], [0, 0, 1, 1], [], []>, transpose_lhs_hint = false} : vector<4096x96xf32>, vector<96x1xf32>, vector<4096x1xf32> -> vector<4096x1xf32>
    %get3A_98 = arith.constant 0 : index
    %get3A_99 = arith.constant 0 : index
    %get3A_100 = vector.load %arg11[%get3A_98, %get3A_99] : memref<1x1xf32, #tpu.memory_space<vmem>>, vector<1x1xf32>
    %add3A_101 = vector.broadcast %get3A_100 : vector<1x1xf32> to vector<4096x1xf32>
    %add3A_102 = arith.addf %dot_general3A_97, %add3A_101 : vector<4096x1xf32>
    %max3A = arith.constant 0.000000e+00 : f32
    %max3A_103 = vector.broadcast %max3A : f32 to vector<4096x1xf32>
    %max3A_104 = arith.maximumf %add3A_102, %max3A_103 : vector<4096x1xf32>
    %abs3A = math.absf %add3A_102 : vector<4096x1xf32>
    %neg3A = arith.constant 0.000000e+00 : f32
    %neg3A_105 = vector.broadcast %neg3A : f32 to vector<4096x1xf32>
    %neg3A_106 = arith.subf %neg3A_105, %abs3A : vector<4096x1xf32>
    %exp3A_107 = math.exp %neg3A_106 : vector<4096x1xf32>
    %add3A_108 = arith.constant 1.000000e+00 : f32
    %add3A_109 = vector.broadcast %add3A_108 : f32 to vector<4096x1xf32>
    %add3A_110 = arith.addf %add3A_109, %exp3A_107 : vector<4096x1xf32>
    %log3A = math.log %add3A_110 : vector<4096x1xf32>
    %add3A_111 = arith.addf %max3A_104, %log3A : vector<4096x1xf32>
    %swap3A = arith.constant 0 : index
    %swap3A_112 = arith.constant 0 : index
    %swap3A_113 = vector.load %arg12[%swap3A, %swap3A_112] : memref<4096x1xf32, #tpu.memory_space<vmem>>, vector<4096x1xf32>
    tpu.vector_store %arg12[%swap3A, %swap3A_112], %add3A_111 {strides = array<i32>} : memref<4096x1xf32, #tpu.memory_space<vmem>>, vector<4096x1xf32>,
    return
  }
  func.func @transform_0(%arg0: i32) -> (i32, i32) {
    %c0_i32 = arith.constant 0 : i32
    %c0_i32_0 = arith.constant 0 : i32
    return %arg0, %c0_i32 : i32, i32
  }
  func.func @transform_1(%arg0: i32) -> (i32, i32) {
    %c0_i32 = arith.constant 0 : i32
    %c0_i32_0 = arith.constant 0 : i32
    %c0_i32_1 = arith.constant 0 : i32
    return %c0_i32, %c0_i32_0 : i32, i32
  }
  func.func @transform_2(%arg0: i32) -> (i32, i32) {
    %c0_i32 = arith.constant 0 : i32
    %c0_i32_0 = arith.constant 0 : i32
    %c0_i32_1 = arith.constant 0 : i32
    return %c0_i32, %c0_i32_0 : i32, i32
  }
  func.func @transform_3(%arg0: i32) -> (i32, i32) {
    %c0_i32 = arith.constant 0 : i32
    %c0_i32_0 = arith.constant 0 : i32
    %c0_i32_1 = arith.constant 0 : i32
    return %c0_i32, %c0_i32_0 : i32, i32
  }
  func.func @transform_4(%arg0: i32) -> (i32, i32) {
    %c0_i32 = arith.constant 0 : i32
    %c0_i32_0 = arith.constant 0 : i32
    %c0_i32_1 = arith.constant 0 : i32
    return %c0_i32, %c0_i32_0 : i32, i32
  }
  func.func @transform_5(%arg0: i32) -> (i32, i32) {
    %c0_i32 = arith.constant 0 : i32
    %c0_i32_0 = arith.constant 0 : i32
    %c0_i32_1 = arith.constant 0 : i32
    return %c0_i32, %c0_i32_0 : i32, i32
  }
  func.func @transform_6(%arg0: i32) -> (i32, i32) {
    %c0_i32 = arith.constant 0 : i32
    %c0_i32_0 = arith.constant 0 : i32
    %c0_i32_1 = arith.constant 0 : i32
    return %c0_i32, %c0_i32_0 : i32, i32
  }
  func.func @transform_7(%arg0: i32) -> (i32, i32) {
    %c0_i32 = arith.constant 0 : i32
    %c0_i32_0 = arith.constant 0 : i32
    %c0_i32_1 = arith.constant 0 : i32
    return %c0_i32, %c0_i32_0 : i32, i32
  }
  func.func @transform_8(%arg0: i32) -> (i32, i32) {
    %c0_i32 = arith.constant 0 : i32
    %c0_i32_0 = arith.constant 0 : i32
    %c0_i32_1 = arith.constant 0 : i32
    return %c0_i32, %c0_i32_0 : i32, i32
  }
  func.func @transform_9(%arg0: i32) -> (i32, i32) {
    %c0_i32 = arith.constant 0 : i32
    %c0_i32_0 = arith.constant 0 : i32
    %c0_i32_1 = arith.constant 0 : i32
    return %c0_i32, %c0_i32_0 : i32, i32
  }
  func.func @transform_10(%arg0: i32) -> (i32, i32) {
    %c0_i32 = arith.constant 0 : i32
    %c0_i32_0 = arith.constant 0 : i32
    %c0_i32_1 = arith.constant 0 : i32
    return %c0_i32, %c0_i32_0 : i32, i32
  }
  func.func @transform_11(%arg0: i32) -> (i32, i32) {
    %c0_i32 = arith.constant 0 : i32
    %c0_i32_0 = arith.constant 0 : i32
    return %arg0, %c0_i32 : i32, i32
  }
}

module attributes {stable_mosaic.version = 14 : i64} {
  func.func @_coulomb_kernel(%arg0: i32, %arg1: memref<3x32x128xf32, #tpu.memory_space<vmem>>, %arg2: memref<32x128xi32, #tpu.memory_space<vmem>>, %arg3: memref<1x128xf32, #tpu.memory_space<vmem>>, %arg4: memref<32x128xf32, #tpu.memory_space<vmem>>, %arg5: memref<32x128xf32, #tpu.memory_space<vmem>>, %arg6: memref<32x128xf32, #tpu.memory_space<vmem>>, %arg7: memref<1x128xf32, #tpu.memory_space<vmem>>) attributes {dimension_semantics = [#tpu.dimension_semantics<arbitrary>], iteration_bounds = array<i64: 4>, scalar_prefetch = 0 : i64, scratch_operands = 0 : i64, tpu.core_type = #tpu.core_type<tc>, window_params = [{transform_indices = @transform_0, window_bounds = array<i64: 3, 32, 128>}, {transform_indices = @transform_1, window_bounds = array<i64: 32, 128>}, {transform_indices = @transform_2, window_bounds = array<i64: 1, 128>}, {transform_indices = @transform_3, window_bounds = array<i64: 32, 128>}, {transform_indices = @transform_4, window_bounds = array<i64: 32, 128>}, {transform_indices = @transform_5, window_bounds = array<i64: 32, 128>}, {transform_indices = @transform_6, window_bounds = array<i64: 1, 128>}]} {
    %get3A = arith.constant 0 : index
    %get3A_0 = arith.constant 0 : index
    %get3A_1 = vector.load %arg4[%get3A, %get3A_0] : memref<32x128xf32, #tpu.memory_space<vmem>>, vector<32x128xf32>
    %get3A_2 = arith.constant 0 : index
    %get3A_3 = arith.constant 0 : index
    %get3A_4 = vector.load %arg3[%get3A_2, %get3A_3] : memref<1x128xf32, #tpu.memory_space<vmem>>, vector<1x128xf32>
    %reduce_sum3A = arith.constant dense<0.000000e+00> : vector<128xf32>
    %reduce_sum3A_5 = vector.multi_reduction <add>, %get3A_1, %reduce_sum3A [0] : vector<32x128xf32> to vector<128xf32>
    %broadcast_in_dim3A = vector.shape_cast %reduce_sum3A_5 : vector<128xf32> to vector<1x128xf32>
    %abs3A = math.absf %get3A_4 : vector<1x128xf32>
    %div3A = arith.divf %abs3A, %broadcast_in_dim3A : vector<1x128xf32>
    %add3A = arith.constant 1.000000e+00 : f32
    %add3A_6 = vector.broadcast %add3A : f32 to vector<1x128xf32>
    %add3A_7 = arith.addf %add3A_6, %div3A : vector<1x128xf32>
    %div3A_8 = arith.constant 3.200000e+01 : f32
    %div3A_9 = vector.broadcast %div3A_8 : f32 to vector<1x128xf32>
    %div3A_10 = arith.divf %broadcast_in_dim3A, %div3A_9 : vector<1x128xf32>
    %gt3A = arith.constant 0.000000e+00 : f32
    %gt3A_11 = vector.broadcast %gt3A : f32 to vector<1x128xf32>
    %gt3A_12 = arith.cmpf ogt, %get3A_4, %gt3A_11 : vector<1x128xf32>
    %jit3A = arith.constant 1.000000e+00 : f32
    %broadcast_in_dim3A_13 = vector.broadcast %jit3A : f32 to vector<1x128xf32>
    %select_n3A = arith.select %gt3A_12, %add3A_7, %broadcast_in_dim3A_13 : vector<1x128xi1>, vector<1x128xf32>
    %lt3A = arith.constant 0.000000e+00 : f32
    %lt3A_14 = vector.broadcast %lt3A : f32 to vector<1x128xf32>
    %lt3A_15 = arith.cmpf olt, %get3A_4, %lt3A_14 : vector<1x128xf32>
    %jit3A_16 = arith.constant 1.000000e+00 : f32
    %broadcast_in_dim3A_17 = vector.broadcast %jit3A_16 : f32 to vector<1x128xf32>
    %select_n3A_18 = arith.select %lt3A_15, %add3A_7, %broadcast_in_dim3A_17 : vector<1x128xi1>, vector<1x128xf32>
    %neg3A = arith.constant 0.000000e+00 : f32
    %neg3A_19 = vector.broadcast %neg3A : f32 to vector<1x128xf32>
    %neg3A_20 = arith.subf %neg3A_19, %select_n3A_18 : vector<1x128xf32>
    %mul3A = vector.broadcast %neg3A_20 : vector<1x128xf32> to vector<32x128xf32>
    %mul3A_21 = arith.mulf %mul3A, %get3A_1 : vector<32x128xf32>
    %mul3A_22 = arith.mulf %select_n3A, %div3A_10 : vector<1x128xf32>
    %add3A_23 = vector.broadcast %mul3A_22 : vector<1x128xf32> to vector<32x128xf32>
    %add3A_24 = arith.addf %mul3A_21, %add3A_23 : vector<32x128xf32>
    %broadcast_in_dim3A_25 = arith.constant 0.000000e+00 : f32
    %broadcast_in_dim3A_26 = vector.broadcast %broadcast_in_dim3A_25 : f32 to vector<32x32x128xf32>
    %get3A_27 = arith.constant 0 : index
    %get3A_28 = arith.constant 0 : index
    %get3A_29 = arith.constant 0 : index
    %get3A_30 = vector.load %arg1[%get3A_27, %get3A_28, %get3A_29] : memref<3x32x128xf32, #tpu.memory_space<vmem>>, vector<1x32x128xf32>
    %get3A_31 = vector.shape_cast %get3A_30 : vector<1x32x128xf32> to vector<32x128xf32>
    %broadcast_in_dim3A_32 = vector.shape_cast %get3A_31 : vector<32x128xf32> to vector<32x1x128xf32>
    %broadcast_in_dim3A_33 = vector.shape_cast %get3A_31 : vector<32x128xf32> to vector<1x32x128xf32>
    %sub3A = vector.broadcast %broadcast_in_dim3A_32 : vector<32x1x128xf32> to vector<32x32x128xf32>
    %sub3A_34 = vector.broadcast %broadcast_in_dim3A_33 : vector<1x32x128xf32> to vector<32x32x128xf32>
    %sub3A_35 = arith.subf %sub3A, %sub3A_34 : vector<32x32x128xf32>
    %mul3A_36 = arith.mulf %sub3A_35, %sub3A_35 : vector<32x32x128xf32>
    %add3A_37 = arith.addf %broadcast_in_dim3A_26, %mul3A_36 : vector<32x32x128xf32>
    %get3A_38 = arith.constant 1 : index
    %get3A_39 = arith.constant 0 : index
    %get3A_40 = arith.constant 0 : index
    %get3A_41 = vector.load %arg1[%get3A_38, %get3A_39, %get3A_40] : memref<3x32x128xf32, #tpu.memory_space<vmem>>, vector<1x32x128xf32>
    %get3A_42 = vector.shape_cast %get3A_41 : vector<1x32x128xf32> to vector<32x128xf32>
    %broadcast_in_dim3A_43 = vector.shape_cast %get3A_42 : vector<32x128xf32> to vector<32x1x128xf32>
    %broadcast_in_dim3A_44 = vector.shape_cast %get3A_42 : vector<32x128xf32> to vector<1x32x128xf32>
    %sub3A_45 = vector.broadcast %broadcast_in_dim3A_43 : vector<32x1x128xf32> to vector<32x32x128xf32>
    %sub3A_46 = vector.broadcast %broadcast_in_dim3A_44 : vector<1x32x128xf32> to vector<32x32x128xf32>
    %sub3A_47 = arith.subf %sub3A_45, %sub3A_46 : vector<32x32x128xf32>
    %mul3A_48 = arith.mulf %sub3A_47, %sub3A_47 : vector<32x32x128xf32>
    %add3A_49 = arith.addf %add3A_37, %mul3A_48 : vector<32x32x128xf32>
    %get3A_50 = arith.constant 2 : index
    %get3A_51 = arith.constant 0 : index
    %get3A_52 = arith.constant 0 : index
    %get3A_53 = vector.load %arg1[%get3A_50, %get3A_51, %get3A_52] : memref<3x32x128xf32, #tpu.memory_space<vmem>>, vector<1x32x128xf32>
    %get3A_54 = vector.shape_cast %get3A_53 : vector<1x32x128xf32> to vector<32x128xf32>
    %broadcast_in_dim3A_55 = vector.shape_cast %get3A_54 : vector<32x128xf32> to vector<32x1x128xf32>
    %broadcast_in_dim3A_56 = vector.shape_cast %get3A_54 : vector<32x128xf32> to vector<1x32x128xf32>
    %sub3A_57 = vector.broadcast %broadcast_in_dim3A_55 : vector<32x1x128xf32> to vector<32x32x128xf32>
    %sub3A_58 = vector.broadcast %broadcast_in_dim3A_56 : vector<1x32x128xf32> to vector<32x32x128xf32>
    %sub3A_59 = arith.subf %sub3A_57, %sub3A_58 : vector<32x32x128xf32>
    %mul3A_60 = arith.mulf %sub3A_59, %sub3A_59 : vector<32x32x128xf32>
    %add3A_61 = arith.addf %add3A_49, %mul3A_60 : vector<32x32x128xf32>
    %add3A_62 = arith.constant 1.000000e-16 : f32
    %add3A_63 = vector.broadcast %add3A_62 : f32 to vector<32x32x128xf32>
    %add3A_64 = arith.addf %add3A_61, %add3A_63 : vector<32x32x128xf32>
    %sqrt3A = math.sqrt %add3A_64 : vector<32x32x128xf32>
    %div3A_65 = arith.constant 0.529177248 : f32
    %div3A_66 = vector.broadcast %div3A_65 : f32 to vector<32x32x128xf32>
    %div3A_67 = arith.divf %sqrt3A, %div3A_66 : vector<32x32x128xf32>
    %get3A_68 = arith.constant 0 : index
    %get3A_69 = arith.constant 0 : index
    %get3A_70 = vector.load %arg2[%get3A_68, %get3A_69] : memref<32x128xi32, #tpu.memory_space<vmem>>, vector<32x128xi32>
    %broadcast_in_dim3A_71 = arith.constant 0.000000e+00 : f32
    %broadcast_in_dim3A_72 = vector.broadcast %broadcast_in_dim3A_71 : f32 to vector<32x128xf32>
    %eq3A = arith.constant 0 : i32
    %eq3A_73 = vector.broadcast %eq3A : i32 to vector<32x128xi32>
    %eq3A_74 = arith.cmpi eq, %get3A_70, %eq3A_73 : vector<32x128xi32>
    %jit3A_75 = arith.constant 0.551590919 : f32
    %broadcast_in_dim3A_76 = vector.broadcast %jit3A_75 : f32 to vector<32x128xf32>
    %select_n3A_77 = arith.select %eq3A_74, %broadcast_in_dim3A_76, %broadcast_in_dim3A_72 : vector<32x128xi1>, vector<32x128xf32>
    %eq3A_78 = arith.constant 1 : i32
    %eq3A_79 = vector.broadcast %eq3A_78 : i32 to vector<32x128xi32>
    %eq3A_80 = arith.cmpi eq, %get3A_70, %eq3A_79 : vector<32x128xi32>
    %jit3A_81 = arith.constant 1.88862967 : f32
    %broadcast_in_dim3A_82 = vector.broadcast %jit3A_81 : f32 to vector<32x128xf32>
    %select_n3A_83 = arith.select %eq3A_80, %broadcast_in_dim3A_82, %select_n3A_77 : vector<32x128xi1>, vector<32x128xf32>
    %eq3A_84 = arith.constant 2 : i32
    %eq3A_85 = vector.broadcast %eq3A_84 : i32 to vector<32x128xi32>
    %eq3A_86 = arith.cmpi eq, %get3A_70, %eq3A_85 : vector<32x128xi32>
    %jit3A_87 = arith.constant 1.32250285 : f32
    %broadcast_in_dim3A_88 = vector.broadcast %jit3A_87 : f32 to vector<32x128xf32>
    %select_n3A_89 = arith.select %eq3A_86, %broadcast_in_dim3A_88, %select_n3A_83 : vector<32x128xi1>, vector<32x128xf32>
    %eq3A_90 = arith.constant 3 : i32
    %eq3A_91 = vector.broadcast %eq3A_90 : i32 to vector<32x128xi32>
    %eq3A_92 = arith.cmpi eq, %get3A_70, %eq3A_91 : vector<32x128xi32>
    %jit3A_93 = arith.constant 1.23166287 : f32
    %broadcast_in_dim3A_94 = vector.broadcast %jit3A_93 : f32 to vector<32x128xf32>
    %select_n3A_95 = arith.select %eq3A_92, %broadcast_in_dim3A_94, %select_n3A_89 : vector<32x128xi1>, vector<32x128xf32>
    %eq3A_96 = arith.constant 4 : i32
    %eq3A_97 = vector.broadcast %eq3A_96 : i32 to vector<32x128xi32>
    %eq3A_98 = arith.cmpi eq, %get3A_70, %eq3A_97 : vector<32x128xi32>
    %jit3A_99 = arith.constant 2.18849325 : f32
    %broadcast_in_dim3A_100 = vector.broadcast %jit3A_99 : f32 to vector<32x128xf32>
    %select_n3A_101 = arith.select %eq3A_98, %broadcast_in_dim3A_100, %select_n3A_95 : vector<32x128xi1>, vector<32x128xf32>
    %eq3A_102 = arith.constant 5 : i32
    %eq3A_103 = vector.broadcast %eq3A_102 : i32 to vector<32x128xi32>
    %eq3A_104 = arith.cmpi eq, %get3A_70, %eq3A_103 : vector<32x128xi32>
    %jit3A_105 = arith.constant 1.77503717 : f32
    %broadcast_in_dim3A_106 = vector.broadcast %jit3A_105 : f32 to vector<32x128xf32>
    %select_n3A_107 = arith.select %eq3A_104, %broadcast_in_dim3A_106, %select_n3A_101 : vector<32x128xi1>, vector<32x128xf32>
    %eq3A_108 = arith.constant 6 : i32
    %eq3A_109 = vector.broadcast %eq3A_108 : i32 to vector<32x128xi32>
    %eq3A_110 = arith.cmpi eq, %get3A_70, %eq3A_109 : vector<32x128xi32>
    %jit3A_111 = arith.constant 1.3677907 : f32
    %broadcast_in_dim3A_112 = vector.broadcast %jit3A_111 : f32 to vector<32x128xf32>
    %select_n3A_113 = arith.select %eq3A_110, %broadcast_in_dim3A_112, %select_n3A_107 : vector<32x128xi1>, vector<32x128xf32>
    %eq3A_114 = arith.constant 7 : i32
    %eq3A_115 = vector.broadcast %eq3A_114 : i32 to vector<32x128xi32>
    %eq3A_116 = arith.cmpi eq, %get3A_70, %eq3A_115 : vector<32x128xi32>
    %jit3A_117 = arith.constant 1.38200581 : f32
    %broadcast_in_dim3A_118 = vector.broadcast %jit3A_117 : f32 to vector<32x128xf32>
    %select_n3A_119 = arith.select %eq3A_116, %broadcast_in_dim3A_118, %select_n3A_113 : vector<32x128xi1>, vector<32x128xf32>
    %mul3A_120 = arith.mulf %select_n3A_119, %select_n3A_119 : vector<32x128xf32>
    %broadcast_in_dim3A_121 = vector.shape_cast %mul3A_120 : vector<32x128xf32> to vector<32x1x128xf32>
    %broadcast_in_dim3A_122 = vector.shape_cast %mul3A_120 : vector<32x128xf32> to vector<1x32x128xf32>
    %add3A_123 = vector.broadcast %broadcast_in_dim3A_121 : vector<32x1x128xf32> to vector<32x32x128xf32>
    %add3A_124 = vector.broadcast %broadcast_in_dim3A_122 : vector<1x32x128xf32> to vector<32x32x128xf32>
    %add3A_125 = arith.addf %add3A_123, %add3A_124 : vector<32x32x128xf32>
    %max3A = arith.constant 9.99999993E-9 : f32
    %max3A_126 = vector.broadcast %max3A : f32 to vector<32x32x128xf32>
    %max3A_127 = arith.maximumf %add3A_125, %max3A_126 : vector<32x32x128xf32>
    %mul3A_128 = arith.constant 2.000000e+00 : f32
    %mul3A_129 = vector.broadcast %mul3A_128 : f32 to vector<32x32x128xf32>
    %mul3A_130 = arith.mulf %mul3A_129, %max3A_127 : vector<32x32x128xf32>
    %sqrt3A_131 = math.sqrt %mul3A_130 : vector<32x32x128xf32>
    %div3A_132 = arith.divf %div3A_67, %sqrt3A_131 : vector<32x32x128xf32>
    %mul3A_133 = arith.constant 0.327591091 : f32
    %mul3A_134 = vector.broadcast %mul3A_133 : f32 to vector<32x32x128xf32>
    %mul3A_135 = arith.mulf %mul3A_134, %div3A_132 : vector<32x32x128xf32>
    %add3A_136 = arith.constant 1.000000e+00 : f32
    %add3A_137 = vector.broadcast %add3A_136 : f32 to vector<32x32x128xf32>
    %add3A_138 = arith.addf %add3A_137, %mul3A_135 : vector<32x32x128xf32>
    %div3A_139 = arith.constant 1.000000e+00 : f32
    %div3A_140 = vector.broadcast %div3A_139 : f32 to vector<32x32x128xf32>
    %div3A_141 = arith.divf %div3A_140, %add3A_138 : vector<32x32x128xf32>
    %mul3A_142 = arith.constant 1.06140542 : f32
    %mul3A_143 = vector.broadcast %mul3A_142 : f32 to vector<32x32x128xf32>
    %mul3A_144 = arith.mulf %div3A_141, %mul3A_143 : vector<32x32x128xf32>
    %add3A_145 = arith.constant -1.45315206 : f32
    %add3A_146 = vector.broadcast %add3A_145 : f32 to vector<32x32x128xf32>
    %add3A_147 = arith.addf %add3A_146, %mul3A_144 : vector<32x32x128xf32>
    %mul3A_148 = arith.mulf %div3A_141, %add3A_147 : vector<32x32x128xf32>
    %add3A_149 = arith.constant 1.42141378 : f32
    %add3A_150 = vector.broadcast %add3A_149 : f32 to vector<32x32x128xf32>
    %add3A_151 = arith.addf %add3A_150, %mul3A_148 : vector<32x32x128xf32>
    %mul3A_152 = arith.mulf %div3A_141, %add3A_151 : vector<32x32x128xf32>
    %add3A_153 = arith.constant -0.284496725 : f32
    %add3A_154 = vector.broadcast %add3A_153 : f32 to vector<32x32x128xf32>
    %add3A_155 = arith.addf %add3A_154, %mul3A_152 : vector<32x32x128xf32>
    %mul3A_156 = arith.mulf %div3A_141, %add3A_155 : vector<32x32x128xf32>
    %add3A_157 = arith.constant 0.254829586 : f32
    %add3A_158 = vector.broadcast %add3A_157 : f32 to vector<32x32x128xf32>
    %add3A_159 = arith.addf %add3A_158, %mul3A_156 : vector<32x32x128xf32>
    %mul3A_160 = arith.mulf %div3A_141, %add3A_159 : vector<32x32x128xf32>
    %neg3A_161 = arith.constant 0.000000e+00 : f32
    %neg3A_162 = vector.broadcast %neg3A_161 : f32 to vector<32x32x128xf32>
    %neg3A_163 = arith.subf %neg3A_162, %div3A_132 : vector<32x32x128xf32>
    %mul3A_164 = arith.mulf %neg3A_163, %div3A_132 : vector<32x32x128xf32>
    %exp3A = math.exp %mul3A_164 : vector<32x32x128xf32>
    %mul3A_165 = arith.mulf %mul3A_160, %exp3A : vector<32x32x128xf32>
    %sub3A_166 = arith.constant 1.000000e+00 : f32
    %sub3A_167 = vector.broadcast %sub3A_166 : f32 to vector<32x32x128xf32>
    %sub3A_168 = arith.subf %sub3A_167, %mul3A_165 : vector<32x32x128xf32>
    %div3A_169 = arith.divf %sub3A_168, %div3A_67 : vector<32x32x128xf32>
    %iota3A = tpu.iota {dimensions = array<i32: 0>} : vector<32x32x128xi32>
    %iota3A_170 = tpu.iota {dimensions = array<i32: 1>} : vector<32x32x128xi32>
    %eq3A_171 = arith.cmpi eq, %iota3A, %iota3A_170 : vector<32x32x128xi32>
    %jit3A_172 = arith.constant 0.000000e+00 : f32
    %broadcast_in_dim3A_173 = vector.broadcast %jit3A_172 : f32 to vector<32x32x128xf32>
    %select_n3A_174 = arith.select %eq3A_171, %broadcast_in_dim3A_173, %div3A_169 : vector<32x32x128xi1>, vector<32x32x128xf32>
    %broadcast_in_dim3A_175 = vector.shape_cast %add3A_24 : vector<32x128xf32> to vector<32x1x128xf32>
    %mul3A_176 = vector.broadcast %broadcast_in_dim3A_175 : vector<32x1x128xf32> to vector<32x32x128xf32>
    %mul3A_177 = arith.mulf %mul3A_176, %select_n3A_174 : vector<32x32x128xf32>
    %reduce_sum3A_178 = arith.constant dense<0.000000e+00> : vector<32x128xf32>
    %reduce_sum3A_179 = vector.multi_reduction <add>, %mul3A_177, %reduce_sum3A_178 [0] : vector<32x32x128xf32> to vector<32x128xf32>
    %mul3A_180 = arith.mulf %add3A_24, %reduce_sum3A_179 : vector<32x128xf32>
    %reduce_sum3A_181 = arith.constant dense<0.000000e+00> : vector<128xf32>
    %reduce_sum3A_182 = vector.multi_reduction <add>, %mul3A_180, %reduce_sum3A_181 [0] : vector<32x128xf32> to vector<128xf32>
    %broadcast_in_dim3A_183 = vector.shape_cast %reduce_sum3A_182 : vector<128xf32> to vector<1x128xf32>
    %mul3A_184 = arith.constant 5.000000e-01 : f32
    %mul3A_185 = vector.broadcast %mul3A_184 : f32 to vector<1x128xf32>
    %mul3A_186 = arith.mulf %mul3A_185, %broadcast_in_dim3A_183 : vector<1x128xf32>
    %swap3A = arith.constant 0 : index
    %swap3A_187 = arith.constant 0 : index
    %swap3A_188 = vector.load %arg5[%swap3A, %swap3A_187] : memref<32x128xf32, #tpu.memory_space<vmem>>, vector<32x128xf32>
    tpu.vector_store %arg5[%swap3A, %swap3A_187], %add3A_24 {strides = array<i32>} : memref<32x128xf32, #tpu.memory_space<vmem>>, vector<32x128xf32>,
    %swap3A_189 = arith.constant 0 : index
    %swap3A_190 = arith.constant 0 : index
    %swap3A_191 = vector.load %arg6[%swap3A_189, %swap3A_190] : memref<32x128xf32, #tpu.memory_space<vmem>>, vector<32x128xf32>
    tpu.vector_store %arg6[%swap3A_189, %swap3A_190], %reduce_sum3A_179 {strides = array<i32>} : memref<32x128xf32, #tpu.memory_space<vmem>>, vector<32x128xf32>,
    %swap3A_192 = arith.constant 0 : index
    %swap3A_193 = arith.constant 0 : index
    %swap3A_194 = vector.load %arg7[%swap3A_192, %swap3A_193] : memref<1x128xf32, #tpu.memory_space<vmem>>, vector<1x128xf32>
    tpu.vector_store %arg7[%swap3A_192, %swap3A_193], %mul3A_186 {strides = array<i32>} : memref<1x128xf32, #tpu.memory_space<vmem>>, vector<1x128xf32>,
    return
  }
  func.func @transform_0(%arg0: i32) -> (i32, i32, i32) {
    %c0_i32 = arith.constant 0 : i32
    %c0_i32_0 = arith.constant 0 : i32
    %c0_i32_1 = arith.constant 0 : i32
    return %c0_i32, %c0_i32_0, %arg0 : i32, i32, i32
  }
  func.func @transform_1(%arg0: i32) -> (i32, i32) {
    %c0_i32 = arith.constant 0 : i32
    %c0_i32_0 = arith.constant 0 : i32
    return %c0_i32, %arg0 : i32, i32
  }
  func.func @transform_2(%arg0: i32) -> (i32, i32) {
    %c0_i32 = arith.constant 0 : i32
    %c0_i32_0 = arith.constant 0 : i32
    return %c0_i32, %arg0 : i32, i32
  }
  func.func @transform_3(%arg0: i32) -> (i32, i32) {
    %c0_i32 = arith.constant 0 : i32
    %c0_i32_0 = arith.constant 0 : i32
    return %c0_i32, %arg0 : i32, i32
  }
  func.func @transform_4(%arg0: i32) -> (i32, i32) {
    %c0_i32 = arith.constant 0 : i32
    %c0_i32_0 = arith.constant 0 : i32
    return %c0_i32, %arg0 : i32, i32
  }
  func.func @transform_5(%arg0: i32) -> (i32, i32) {
    %c0_i32 = arith.constant 0 : i32
    %c0_i32_0 = arith.constant 0 : i32
    return %c0_i32, %arg0 : i32, i32
  }
  func.func @transform_6(%arg0: i32) -> (i32, i32) {
    %c0_i32 = arith.constant 0 : i32
    %c0_i32_0 = arith.constant 0 : i32
    return %c0_i32, %arg0 : i32, i32
  }
}

module attributes {stable_mosaic.version = 14 : i64} {
  func.func @_ani_kernel(%arg0: i32, %arg1: memref<24xi32, #tpu.memory_space<smem>>, %arg2: memref<24xi32, #tpu.memory_space<smem>>, %arg3: memref<1024x8xf32, #tpu.memory_space<vmem>>, %arg4: memref<512x32xf32, #tpu.memory_space<vmem>>, %arg5: memref<512x32xf32, #tpu.memory_space<vmem>>, %arg6: memref<3x384xf32, #tpu.memory_space<vmem>>, %arg7: memref<1x384xf32, #tpu.memory_space<vmem>>, %arg8: memref<1x384x160xf32, #tpu.memory_space<vmem>>, %arg9: memref<1x1x160xf32, #tpu.memory_space<vmem>>, %arg10: memref<1x1x160xf32, #tpu.memory_space<vmem>>, %arg11: memref<1x1x160xf32, #tpu.memory_space<vmem>>, %arg12: memref<1x160x128xf32, #tpu.memory_space<vmem>>, %arg13: memref<1x1x128xf32, #tpu.memory_space<vmem>>, %arg14: memref<1x128x96xf32, #tpu.memory_space<vmem>>, %arg15: memref<1x1x96xf32, #tpu.memory_space<vmem>>, %arg16: memref<1x96x1xf32, #tpu.memory_space<vmem>>, %arg17: memref<1x1x1xf32, #tpu.memory_space<vmem>>, %arg18: memref<1x512xf32, #tpu.memory_space<vmem>>, %arg19: memref<1x512xf32, #tpu.memory_space<vmem>>) attributes {dimension_semantics = [#tpu.dimension_semantics<arbitrary>], iteration_bounds = array<i64: 24>, scalar_prefetch = 2 : i64, scratch_operands = 0 : i64, tpu.core_type = #tpu.core_type<tc>, window_params = [{transform_indices = @transform_0, window_bounds = array<i64: 1024, 8>}, {pipeline_mode = #tpu.pipeline_mode<synchronous>, transform_indices = @transform_1, window_bounds = array<i64: 512, 32>}, {pipeline_mode = #tpu.pipeline_mode<synchronous>, transform_indices = @transform_2, window_bounds = array<i64: 512, 32>}, {pipeline_mode = #tpu.pipeline_mode<synchronous>, transform_indices = @transform_3, window_bounds = array<i64: 3, 384>}, {pipeline_mode = #tpu.pipeline_mode<synchronous>, transform_indices = @transform_4, window_bounds = array<i64: 1, 384>}, {transform_indices = @transform_5, window_bounds = array<i64: 1, 384, 160>}, {transform_indices = @transform_6, window_bounds = array<i64: 1, 1, 160>}, {transform_indices = @transform_7, window_bounds = array<i64: 1, 1, 160>}, {transform_indices = @transform_8, window_bounds = array<i64: 1, 1, 160>}, {transform_indices = @transform_9, window_bounds = array<i64: 1, 160, 128>}, {transform_indices = @transform_10, window_bounds = array<i64: 1, 1, 128>}, {transform_indices = @transform_11, window_bounds = array<i64: 1, 128, 96>}, {transform_indices = @transform_12, window_bounds = array<i64: 1, 1, 96>}, {transform_indices = @transform_13, window_bounds = array<i64: 1, 96, 1>}, {transform_indices = @transform_14, window_bounds = array<i64: 1, 1, 1>}, {pipeline_mode = #tpu.pipeline_mode<synchronous>, transform_indices = @transform_15, window_bounds = array<i64: 1, 512>}, {pipeline_mode = #tpu.pipeline_mode<synchronous>, transform_indices = @transform_16, window_bounds = array<i64: 1, 512>}]} {
    %get3A = arith.constant 0 : index
    %get3A_0 = arith.constant 0 : index
    %get3A_1 = vector.load %arg3[%get3A, %get3A_0] : memref<1024x8xf32, #tpu.memory_space<vmem>>, vector<1024x8xf32>
    %iota3A = tpu.iota {dimensions = array<i32: 0>} : vector<1024x1xi32>
    %get3A_2 = arith.index_cast %arg0 : i32 to index
    %get3A_3 = memref.load %arg2[%get3A_2] : memref<24xi32, #tpu.memory_space<smem>>
    %lt3A = vector.broadcast %get3A_3 : i32 to vector<1024x1xi32>
    %lt3A_4 = arith.cmpi slt, %iota3A, %lt3A : vector<1024x1xi32>
    %slice3A = vector.extract_strided_slice %get3A_1 {offsets = [0, 3], sizes = [1024, 1], strides = [1, 1]} : vector<1024x8xf32> to vector<1024x1xf32>
    %jit3A = arith.constant 6.000000e+02 : f32
    %broadcast_in_dim3A = vector.broadcast %jit3A : f32 to vector<1024x1xf32>
    %select_n3A = arith.select %lt3A_4, %slice3A, %broadcast_in_dim3A : vector<1024x1xi1>, vector<1024x1xf32>
    %iota3A_5 = tpu.iota {dimensions = array<i32: 1>} : vector<1024x512xi32>
    %convert_element_type3A = arith.sitofp %iota3A_5 : vector<1024x512xi32> to vector<1024x512xf32>
    %eq3A = vector.broadcast %select_n3A : vector<1024x1xf32> to vector<1024x512xf32>
    %eq3A_6 = arith.cmpf oeq, %eq3A, %convert_element_type3A : vector<1024x512xf32>
    %jit3A_7 = arith.constant 1.000000e+00 : f32
    %jit3A_8 = arith.constant 0.000000e+00 : f32
    %broadcast_in_dim3A_9 = vector.broadcast %jit3A_7 : f32 to vector<1024x512xf32>
    %broadcast_in_dim3A_10 = vector.broadcast %jit3A_8 : f32 to vector<1024x512xf32>
    %select_n3A_11 = arith.select %eq3A_6, %broadcast_in_dim3A_9, %broadcast_in_dim3A_10 : vector<1024x512xi1>, vector<1024x512xf32>
    %slice3A_12 = vector.extract_strided_slice %get3A_1 {offsets = [0, 4], sizes = [1024, 1], strides = [1, 1]} : vector<1024x8xf32> to vector<1024x1xf32>
    %iota3A_13 = tpu.iota {dimensions = array<i32: 1>} : vector<1024x32xi32>
    %convert_element_type3A_14 = arith.sitofp %iota3A_13 : vector<1024x32xi32> to vector<1024x32xf32>
    %eq3A_15 = vector.broadcast %slice3A_12 : vector<1024x1xf32> to vector<1024x32xf32>
    %eq3A_16 = arith.cmpf oeq, %eq3A_15, %convert_element_type3A_14 : vector<1024x32xf32>
    %jit3A_17 = arith.constant 1.000000e+00 : f32
    %jit3A_18 = arith.constant 0.000000e+00 : f32
    %broadcast_in_dim3A_19 = vector.broadcast %jit3A_17 : f32 to vector<1024x32xf32>
    %broadcast_in_dim3A_20 = vector.broadcast %jit3A_18 : f32 to vector<1024x32xf32>
    %select_n3A_21 = arith.select %eq3A_16, %broadcast_in_dim3A_19, %broadcast_in_dim3A_20 : vector<1024x32xi1>, vector<1024x32xf32>
    %get3A_22 = arith.constant 0 : index
    %get3A_23 = arith.constant 0 : index
    %get3A_24 = vector.load %arg4[%get3A_22, %get3A_23] : memref<512x32xf32, #tpu.memory_space<vmem>>, vector<512x32xf32>
    %dot_general3A = arith.constant dense<0.000000e+00> : vector<1024x32xf32>
    %dot_general3A_25 = tpu.matmul %select_n3A_11, %get3A_24, %dot_general3A {dimension_numbers = #tpu.dot_dimension_numbers<[1], [0], [0], [1], [0, 0, 1, 1], [], []>, transpose_lhs_hint = false} : vector<1024x512xf32>, vector<512x32xf32>, vector<1024x32xf32> -> vector<1024x32xf32>
    %get3A_26 = arith.constant 0 : index
    %get3A_27 = arith.constant 0 : index
    %get3A_28 = vector.load %arg5[%get3A_26, %get3A_27] : memref<512x32xf32, #tpu.memory_space<vmem>>, vector<512x32xf32>
    %dot_general3A_29 = arith.constant dense<0.000000e+00> : vector<1024x32xf32>
    %dot_general3A_30 = tpu.matmul %select_n3A_11, %get3A_28, %dot_general3A_29 {dimension_numbers = #tpu.dot_dimension_numbers<[1], [0], [0], [1], [0, 0, 1, 1], [], []>, transpose_lhs_hint = false} : vector<1024x512xf32>, vector<512x32xf32>, vector<1024x32xf32> -> vector<1024x32xf32>
    %mul3A = arith.mulf %dot_general3A_25, %select_n3A_21 : vector<1024x32xf32>
    %reduce_sum3A = arith.constant dense<0.000000e+00> : vector<1024xf32>
    %reduce_sum3A_31 = vector.multi_reduction <add>, %mul3A, %reduce_sum3A [1] : vector<1024x32xf32> to vector<1024xf32>
    %broadcast_in_dim3A_32 = vector.shape_cast %reduce_sum3A_31 : vector<1024xf32> to vector<1024x1xf32>
    %mul3A_33 = arith.mulf %dot_general3A_30, %select_n3A_21 : vector<1024x32xf32>
    %reduce_sum3A_34 = arith.constant dense<0.000000e+00> : vector<1024xf32>
    %reduce_sum3A_35 = vector.multi_reduction <add>, %mul3A_33, %reduce_sum3A_34 [1] : vector<1024x32xf32> to vector<1024xf32>
    %broadcast_in_dim3A_36 = vector.shape_cast %reduce_sum3A_35 : vector<1024xf32> to vector<1024x1xf32>
    %slice3A_37 = vector.extract_strided_slice %get3A_1 {offsets = [0, 0], sizes = [1024, 1], strides = [1, 1]} : vector<1024x8xf32> to vector<1024x1xf32>
    %slice3A_38 = vector.extract_strided_slice %get3A_1 {offsets = [0, 1], sizes = [1024, 1], strides = [1, 1]} : vector<1024x8xf32> to vector<1024x1xf32>
    %slice3A_39 = vector.extract_strided_slice %get3A_1 {offsets = [0, 2], sizes = [1024, 1], strides = [1, 1]} : vector<1024x8xf32> to vector<1024x1xf32>
    %get3A_40 = arith.constant 0 : index
    %get3A_41 = arith.constant 0 : index
    %get3A_42 = vector.load %arg6[%get3A_40, %get3A_41] : memref<3x384xf32, #tpu.memory_space<vmem>>, vector<1x384xf32>
    %mul3A_43 = vector.broadcast %slice3A_37 : vector<1024x1xf32> to vector<1024x384xf32>
    %mul3A_44 = vector.broadcast %get3A_42 : vector<1x384xf32> to vector<1024x384xf32>
    %mul3A_45 = arith.mulf %mul3A_43, %mul3A_44 : vector<1024x384xf32>
    %get3A_46 = arith.constant 1 : index
    %get3A_47 = arith.constant 0 : index
    %get3A_48 = vector.load %arg6[%get3A_46, %get3A_47] : memref<3x384xf32, #tpu.memory_space<vmem>>, vector<1x384xf32>
    %mul3A_49 = vector.broadcast %slice3A_38 : vector<1024x1xf32> to vector<1024x384xf32>
    %mul3A_50 = vector.broadcast %get3A_48 : vector<1x384xf32> to vector<1024x384xf32>
    %mul3A_51 = arith.mulf %mul3A_49, %mul3A_50 : vector<1024x384xf32>
    %add3A = arith.addf %mul3A_45, %mul3A_51 : vector<1024x384xf32>
    %get3A_52 = arith.constant 2 : index
    %get3A_53 = arith.constant 0 : index
    %get3A_54 = vector.load %arg6[%get3A_52, %get3A_53] : memref<3x384xf32, #tpu.memory_space<vmem>>, vector<1x384xf32>
    %mul3A_55 = vector.broadcast %slice3A_39 : vector<1024x1xf32> to vector<1024x384xf32>
    %mul3A_56 = vector.broadcast %get3A_54 : vector<1x384xf32> to vector<1024x384xf32>
    %mul3A_57 = arith.mulf %mul3A_55, %mul3A_56 : vector<1024x384xf32>
    %add3A_58 = arith.addf %add3A, %mul3A_57 : vector<1024x384xf32>
    %get3A_59 = arith.constant 0 : index
    %get3A_60 = arith.constant 0 : index
    %get3A_61 = vector.load %arg7[%get3A_59, %get3A_60] : memref<1x384xf32, #tpu.memory_space<vmem>>, vector<1x384xf32>
    %add3A_62 = vector.broadcast %get3A_61 : vector<1x384xf32> to vector<1024x384xf32>
    %add3A_63 = arith.addf %add3A_58, %add3A_62 : vector<1024x384xf32>
    %tanh3A = math.tanh %add3A_63 : vector<1024x384xf32>
    %get3A_64 = arith.constant 0 : index
    %get3A_65 = arith.constant 0 : index
    %get3A_66 = arith.constant 0 : index
    %get3A_67 = vector.load %arg8[%get3A_64, %get3A_65, %get3A_66] : memref<1x384x160xf32, #tpu.memory_space<vmem>>, vector<1x384x160xf32>
    %get3A_68 = vector.shape_cast %get3A_67 : vector<1x384x160xf32> to vector<384x160xf32>
    %dot_general3A_69 = arith.constant dense<0.000000e+00> : vector<1024x160xf32>
    %dot_general3A_70 = tpu.matmul %tanh3A, %get3A_68, %dot_general3A_69 {dimension_numbers = #tpu.dot_dimension_numbers<[1], [0], [0], [1], [0, 0, 1, 1], [], []>, transpose_lhs_hint = false} : vector<1024x384xf32>, vector<384x160xf32>, vector<1024x160xf32> -> vector<1024x160xf32>
    %get3A_71 = arith.constant 0 : index
    %get3A_72 = arith.constant 0 : index
    %get3A_73 = arith.constant 0 : index
    %get3A_74 = vector.load %arg9[%get3A_71, %get3A_72, %get3A_73] : memref<1x1x160xf32, #tpu.memory_space<vmem>>, vector<1x1x160xf32>
    %get3A_75 = vector.shape_cast %get3A_74 : vector<1x1x160xf32> to vector<1x160xf32>
    %mul3A_76 = vector.broadcast %broadcast_in_dim3A_32 : vector<1024x1xf32> to vector<1024x160xf32>
    %mul3A_77 = vector.broadcast %get3A_75 : vector<1x160xf32> to vector<1024x160xf32>
    %mul3A_78 = arith.mulf %mul3A_76, %mul3A_77 : vector<1024x160xf32>
    %add3A_79 = arith.addf %dot_general3A_70, %mul3A_78 : vector<1024x160xf32>
    %get3A_80 = arith.constant 0 : index
    %get3A_81 = arith.constant 0 : index
    %get3A_82 = arith.constant 0 : index
    %get3A_83 = vector.load %arg10[%get3A_80, %get3A_81, %get3A_82] : memref<1x1x160xf32, #tpu.memory_space<vmem>>, vector<1x1x160xf32>
    %get3A_84 = vector.shape_cast %get3A_83 : vector<1x1x160xf32> to vector<1x160xf32>
    %mul3A_85 = vector.broadcast %broadcast_in_dim3A_36 : vector<1024x1xf32> to vector<1024x160xf32>
    %mul3A_86 = vector.broadcast %get3A_84 : vector<1x160xf32> to vector<1024x160xf32>
    %mul3A_87 = arith.mulf %mul3A_85, %mul3A_86 : vector<1024x160xf32>
    %add3A_88 = arith.addf %add3A_79, %mul3A_87 : vector<1024x160xf32>
    %get3A_89 = arith.constant 0 : index
    %get3A_90 = arith.constant 0 : index
    %get3A_91 = arith.constant 0 : index
    %get3A_92 = vector.load %arg11[%get3A_89, %get3A_90, %get3A_91] : memref<1x1x160xf32, #tpu.memory_space<vmem>>, vector<1x1x160xf32>
    %get3A_93 = vector.shape_cast %get3A_92 : vector<1x1x160xf32> to vector<1x160xf32>
    %add3A_94 = vector.broadcast %get3A_93 : vector<1x160xf32> to vector<1024x160xf32>
    %add3A_95 = arith.addf %add3A_88, %add3A_94 : vector<1024x160xf32>
    %gt3A = arith.constant 0.000000e+00 : f32
    %gt3A_96 = vector.broadcast %gt3A : f32 to vector<1024x160xf32>
    %gt3A_97 = arith.cmpf ogt, %add3A_95, %gt3A_96 : vector<1024x160xf32>
    %div3A = arith.constant 1.000000e-01 : f32
    %div3A_98 = vector.broadcast %div3A : f32 to vector<1024x160xf32>
    %div3A_99 = arith.divf %add3A_95, %div3A_98 : vector<1024x160xf32>
    %exp3A = math.exp %div3A_99 : vector<1024x160xf32>
    %sub3A = arith.constant 1.000000e+00 : f32
    %sub3A_100 = vector.broadcast %sub3A : f32 to vector<1024x160xf32>
    %sub3A_101 = arith.subf %exp3A, %sub3A_100 : vector<1024x160xf32>
    %mul3A_102 = arith.constant 1.000000e-01 : f32
    %mul3A_103 = vector.broadcast %mul3A_102 : f32 to vector<1024x160xf32>
    %mul3A_104 = arith.mulf %mul3A_103, %sub3A_101 : vector<1024x160xf32>
    %select_n3A_105 = arith.select %gt3A_97, %add3A_95, %mul3A_104 : vector<1024x160xi1>, vector<1024x160xf32>
    %get3A_106 = arith.constant 0 : index
    %get3A_107 = arith.constant 0 : index
    %get3A_108 = arith.constant 0 : index
    %get3A_109 = vector.load %arg12[%get3A_106, %get3A_107, %get3A_108] : memref<1x160x128xf32, #tpu.memory_space<vmem>>, vector<1x160x128xf32>
    %get3A_110 = vector.shape_cast %get3A_109 : vector<1x160x128xf32> to vector<160x128xf32>
    %dot_general3A_111 = arith.constant dense<0.000000e+00> : vector<1024x128xf32>
    %dot_general3A_112 = tpu.matmul %select_n3A_105, %get3A_110, %dot_general3A_111 {dimension_numbers = #tpu.dot_dimension_numbers<[1], [0], [0], [1], [0, 0, 1, 1], [], []>, transpose_lhs_hint = false} : vector<1024x160xf32>, vector<160x128xf32>, vector<1024x128xf32> -> vector<1024x128xf32>
    %get3A_113 = arith.constant 0 : index
    %get3A_114 = arith.constant 0 : index
    %get3A_115 = arith.constant 0 : index
    %get3A_116 = vector.load %arg13[%get3A_113, %get3A_114, %get3A_115] : memref<1x1x128xf32, #tpu.memory_space<vmem>>, vector<1x1x128xf32>
    %get3A_117 = vector.shape_cast %get3A_116 : vector<1x1x128xf32> to vector<1x128xf32>
    %add3A_118 = vector.broadcast %get3A_117 : vector<1x128xf32> to vector<1024x128xf32>
    %add3A_119 = arith.addf %dot_general3A_112, %add3A_118 : vector<1024x128xf32>
    %gt3A_120 = arith.constant 0.000000e+00 : f32
    %gt3A_121 = vector.broadcast %gt3A_120 : f32 to vector<1024x128xf32>
    %gt3A_122 = arith.cmpf ogt, %add3A_119, %gt3A_121 : vector<1024x128xf32>
    %div3A_123 = arith.constant 1.000000e-01 : f32
    %div3A_124 = vector.broadcast %div3A_123 : f32 to vector<1024x128xf32>
    %div3A_125 = arith.divf %add3A_119, %div3A_124 : vector<1024x128xf32>
    %exp3A_126 = math.exp %div3A_125 : vector<1024x128xf32>
    %sub3A_127 = arith.constant 1.000000e+00 : f32
    %sub3A_128 = vector.broadcast %sub3A_127 : f32 to vector<1024x128xf32>
    %sub3A_129 = arith.subf %exp3A_126, %sub3A_128 : vector<1024x128xf32>
    %mul3A_130 = arith.constant 1.000000e-01 : f32
    %mul3A_131 = vector.broadcast %mul3A_130 : f32 to vector<1024x128xf32>
    %mul3A_132 = arith.mulf %mul3A_131, %sub3A_129 : vector<1024x128xf32>
    %select_n3A_133 = arith.select %gt3A_122, %add3A_119, %mul3A_132 : vector<1024x128xi1>, vector<1024x128xf32>
    %get3A_134 = arith.constant 0 : index
    %get3A_135 = arith.constant 0 : index
    %get3A_136 = arith.constant 0 : index
    %get3A_137 = vector.load %arg14[%get3A_134, %get3A_135, %get3A_136] : memref<1x128x96xf32, #tpu.memory_space<vmem>>, vector<1x128x96xf32>
    %get3A_138 = vector.shape_cast %get3A_137 : vector<1x128x96xf32> to vector<128x96xf32>
    %dot_general3A_139 = arith.constant dense<0.000000e+00> : vector<1024x96xf32>
    %dot_general3A_140 = tpu.matmul %select_n3A_133, %get3A_138, %dot_general3A_139 {dimension_numbers = #tpu.dot_dimension_numbers<[1], [0], [0], [1], [0, 0, 1, 1], [], []>, transpose_lhs_hint = false} : vector<1024x128xf32>, vector<128x96xf32>, vector<1024x96xf32> -> vector<1024x96xf32>
    %get3A_141 = arith.constant 0 : index
    %get3A_142 = arith.constant 0 : index
    %get3A_143 = arith.constant 0 : index
    %get3A_144 = vector.load %arg15[%get3A_141, %get3A_142, %get3A_143] : memref<1x1x96xf32, #tpu.memory_space<vmem>>, vector<1x1x96xf32>
    %get3A_145 = vector.shape_cast %get3A_144 : vector<1x1x96xf32> to vector<1x96xf32>
    %add3A_146 = vector.broadcast %get3A_145 : vector<1x96xf32> to vector<1024x96xf32>
    %add3A_147 = arith.addf %dot_general3A_140, %add3A_146 : vector<1024x96xf32>
    %gt3A_148 = arith.constant 0.000000e+00 : f32
    %gt3A_149 = vector.broadcast %gt3A_148 : f32 to vector<1024x96xf32>
    %gt3A_150 = arith.cmpf ogt, %add3A_147, %gt3A_149 : vector<1024x96xf32>
    %div3A_151 = arith.constant 1.000000e-01 : f32
    %div3A_152 = vector.broadcast %div3A_151 : f32 to vector<1024x96xf32>
    %div3A_153 = arith.divf %add3A_147, %div3A_152 : vector<1024x96xf32>
    %exp3A_154 = math.exp %div3A_153 : vector<1024x96xf32>
    %sub3A_155 = arith.constant 1.000000e+00 : f32
    %sub3A_156 = vector.broadcast %sub3A_155 : f32 to vector<1024x96xf32>
    %sub3A_157 = arith.subf %exp3A_154, %sub3A_156 : vector<1024x96xf32>
    %mul3A_158 = arith.constant 1.000000e-01 : f32
    %mul3A_159 = vector.broadcast %mul3A_158 : f32 to vector<1024x96xf32>
    %mul3A_160 = arith.mulf %mul3A_159, %sub3A_157 : vector<1024x96xf32>
    %select_n3A_161 = arith.select %gt3A_150, %add3A_147, %mul3A_160 : vector<1024x96xi1>, vector<1024x96xf32>
    %get3A_162 = arith.constant 0 : index
    %get3A_163 = arith.constant 0 : index
    %get3A_164 = arith.constant 0 : index
    %get3A_165 = vector.load %arg16[%get3A_162, %get3A_163, %get3A_164] : memref<1x96x1xf32, #tpu.memory_space<vmem>>, vector<1x96x1xf32>
    %get3A_166 = vector.shape_cast %get3A_165 : vector<1x96x1xf32> to vector<96x1xf32>
    %dot_general3A_167 = arith.constant dense<0.000000e+00> : vector<1024x1xf32>
    %dot_general3A_168 = tpu.matmul %select_n3A_161, %get3A_166, %dot_general3A_167 {dimension_numbers = #tpu.dot_dimension_numbers<[1], [0], [0], [1], [0, 0, 1, 1], [], []>, transpose_lhs_hint = false} : vector<1024x96xf32>, vector<96x1xf32>, vector<1024x1xf32> -> vector<1024x1xf32>
    %get3A_169 = arith.constant 0 : index
    %get3A_170 = arith.constant 0 : index
    %get3A_171 = arith.constant 0 : index
    %get3A_172 = vector.load %arg17[%get3A_169, %get3A_170, %get3A_171] : memref<1x1x1xf32, #tpu.memory_space<vmem>>, vector<1x1x1xf32>
    %get3A_173 = vector.shape_cast %get3A_172 : vector<1x1x1xf32> to vector<1x1xf32>
    %add3A_174 = vector.broadcast %get3A_173 : vector<1x1xf32> to vector<1024x1xf32>
    %add3A_175 = arith.addf %dot_general3A_168, %add3A_174 : vector<1024x1xf32>
    %get3A_176 = arith.index_cast %arg0 : i32 to index
    %get3A_177 = memref.load %arg2[%get3A_176] : memref<24xi32, #tpu.memory_space<smem>>
    %lt3A_178 = vector.broadcast %get3A_177 : i32 to vector<1024x1xi32>
    %lt3A_179 = arith.cmpi slt, %iota3A, %lt3A_178 : vector<1024x1xi32>
    %jit3A_180 = arith.constant 0.000000e+00 : f32
    %broadcast_in_dim3A_181 = vector.broadcast %jit3A_180 : f32 to vector<1024x1xf32>
    %select_n3A_182 = arith.select %lt3A_179, %add3A_175, %broadcast_in_dim3A_181 : vector<1024x1xi1>, vector<1024x1xf32>
    %transpose3A = tpu.transpose %select_n3A_182, [1, 0] : vector<1024x1xf32> -> vector<1x1024xf32>
    %dot_general3A_183 = arith.constant dense<0.000000e+00> : vector<1x512xf32>
    %dot_general3A_184 = tpu.matmul %transpose3A, %select_n3A_11, %dot_general3A_183 {dimension_numbers = #tpu.dot_dimension_numbers<[1], [0], [0], [1], [0, 0, 1, 1], [], []>, transpose_lhs_hint = false} : vector<1x1024xf32>, vector<1024x512xf32>, vector<1x512xf32> -> vector<1x512xf32>
    %eq3A_185 = arith.constant 0 : i32
    %eq3A_186 = arith.cmpi eq, %arg0, %eq3A_185 : i32
    %convert_element_type3A_187 = arith.extui %eq3A_186 : i1 to i32
    %cond3A = arith.constant 0 : i32
    %cond3A_188 = arith.cmpi ne, %convert_element_type3A_187, %cond3A : i32
    scf.if %cond3A_188 {
      %get3A_195 = arith.constant 0 : index
      %get3A_196 = arith.constant 0 : index
      %get3A_197 = vector.load %arg18[%get3A_195, %get3A_196] : memref<1x512xf32, #tpu.memory_space<vmem>>, vector<1x512xf32>
      %swap3A_198 = arith.constant 0 : index
      %swap3A_199 = arith.constant 0 : index
      %swap3A_200 = vector.load %arg19[%swap3A_198, %swap3A_199] : memref<1x512xf32, #tpu.memory_space<vmem>>, vector<1x512xf32>
      tpu.vector_store %arg19[%swap3A_198, %swap3A_199], %get3A_197 {strides = array<i32>} : memref<1x512xf32, #tpu.memory_space<vmem>>, vector<1x512xf32>,
    } else {
    }
    %get3A_189 = arith.constant 0 : index
    %get3A_190 = arith.constant 0 : index
    %get3A_191 = vector.load %arg19[%get3A_189, %get3A_190] : memref<1x512xf32, #tpu.memory_space<vmem>>, vector<1x512xf32>
    %add3A_192 = arith.addf %get3A_191, %dot_general3A_184 : vector<1x512xf32>
    %swap3A = arith.constant 0 : index
    %swap3A_193 = arith.constant 0 : index
    %swap3A_194 = vector.load %arg19[%swap3A, %swap3A_193] : memref<1x512xf32, #tpu.memory_space<vmem>>, vector<1x512xf32>
    tpu.vector_store %arg19[%swap3A, %swap3A_193], %add3A_192 {strides = array<i32>} : memref<1x512xf32, #tpu.memory_space<vmem>>, vector<1x512xf32>,
    return
  }
  func.func @transform_0(%arg0: i32, %arg1: memref<24xi32, #tpu.memory_space<smem>>, %arg2: memref<24xi32, #tpu.memory_space<smem>>) -> (i32, i32) {
    %c0_i32 = arith.constant 0 : i32
    %c0_i32_0 = arith.constant 0 : i32
    return %arg0, %c0_i32 : i32, i32
  }
  func.func @transform_1(%arg0: i32, %arg1: memref<24xi32, #tpu.memory_space<smem>>, %arg2: memref<24xi32, #tpu.memory_space<smem>>) -> (i32, i32) {
    %c0_i32 = arith.constant 0 : i32
    %c0_i32_0 = arith.constant 0 : i32
    %c0_i32_1 = arith.constant 0 : i32
    return %c0_i32, %c0_i32_0 : i32, i32
  }
  func.func @transform_2(%arg0: i32, %arg1: memref<24xi32, #tpu.memory_space<smem>>, %arg2: memref<24xi32, #tpu.memory_space<smem>>) -> (i32, i32) {
    %c0_i32 = arith.constant 0 : i32
    %c0_i32_0 = arith.constant 0 : i32
    %c0_i32_1 = arith.constant 0 : i32
    return %c0_i32, %c0_i32_0 : i32, i32
  }
  func.func @transform_3(%arg0: i32, %arg1: memref<24xi32, #tpu.memory_space<smem>>, %arg2: memref<24xi32, #tpu.memory_space<smem>>) -> (i32, i32) {
    %c0_i32 = arith.constant 0 : i32
    %c0_i32_0 = arith.constant 0 : i32
    %c0_i32_1 = arith.constant 0 : i32
    return %c0_i32, %c0_i32_0 : i32, i32
  }
  func.func @transform_4(%arg0: i32, %arg1: memref<24xi32, #tpu.memory_space<smem>>, %arg2: memref<24xi32, #tpu.memory_space<smem>>) -> (i32, i32) {
    %c0_i32 = arith.constant 0 : i32
    %c0_i32_0 = arith.constant 0 : i32
    %c0_i32_1 = arith.constant 0 : i32
    return %c0_i32, %c0_i32_0 : i32, i32
  }
  func.func @transform_5(%arg0: i32, %arg1: memref<24xi32, #tpu.memory_space<smem>>, %arg2: memref<24xi32, #tpu.memory_space<smem>>) -> (i32, i32, i32) {
    %get3A = arith.index_cast %arg0 : i32 to index
    %get3A_0 = memref.load %arg1[%get3A] : memref<24xi32, #tpu.memory_space<smem>>
    %c0_i32 = arith.constant 0 : i32
    %c0_i32_1 = arith.constant 0 : i32
    %c0_i32_2 = arith.constant 0 : i32
    return %get3A_0, %c0_i32, %c0_i32_1 : i32, i32, i32
  }
  func.func @transform_6(%arg0: i32, %arg1: memref<24xi32, #tpu.memory_space<smem>>, %arg2: memref<24xi32, #tpu.memory_space<smem>>) -> (i32, i32, i32) {
    %get3A = arith.index_cast %arg0 : i32 to index
    %get3A_0 = memref.load %arg1[%get3A] : memref<24xi32, #tpu.memory_space<smem>>
    %c0_i32 = arith.constant 0 : i32
    %c0_i32_1 = arith.constant 0 : i32
    %c0_i32_2 = arith.constant 0 : i32
    return %get3A_0, %c0_i32, %c0_i32_1 : i32, i32, i32
  }
  func.func @transform_7(%arg0: i32, %arg1: memref<24xi32, #tpu.memory_space<smem>>, %arg2: memref<24xi32, #tpu.memory_space<smem>>) -> (i32, i32, i32) {
    %get3A = arith.index_cast %arg0 : i32 to index
    %get3A_0 = memref.load %arg1[%get3A] : memref<24xi32, #tpu.memory_space<smem>>
    %c0_i32 = arith.constant 0 : i32
    %c0_i32_1 = arith.constant 0 : i32
    %c0_i32_2 = arith.constant 0 : i32
    return %get3A_0, %c0_i32, %c0_i32_1 : i32, i32, i32
  }
  func.func @transform_8(%arg0: i32, %arg1: memref<24xi32, #tpu.memory_space<smem>>, %arg2: memref<24xi32, #tpu.memory_space<smem>>) -> (i32, i32, i32) {
    %get3A = arith.index_cast %arg0 : i32 to index
    %get3A_0 = memref.load %arg1[%get3A] : memref<24xi32, #tpu.memory_space<smem>>
    %c0_i32 = arith.constant 0 : i32
    %c0_i32_1 = arith.constant 0 : i32
    %c0_i32_2 = arith.constant 0 : i32
    return %get3A_0, %c0_i32, %c0_i32_1 : i32, i32, i32
  }
  func.func @transform_9(%arg0: i32, %arg1: memref<24xi32, #tpu.memory_space<smem>>, %arg2: memref<24xi32, #tpu.memory_space<smem>>) -> (i32, i32, i32) {
    %get3A = arith.index_cast %arg0 : i32 to index
    %get3A_0 = memref.load %arg1[%get3A] : memref<24xi32, #tpu.memory_space<smem>>
    %c0_i32 = arith.constant 0 : i32
    %c0_i32_1 = arith.constant 0 : i32
    %c0_i32_2 = arith.constant 0 : i32
    return %get3A_0, %c0_i32, %c0_i32_1 : i32, i32, i32
  }
  func.func @transform_10(%arg0: i32, %arg1: memref<24xi32, #tpu.memory_space<smem>>, %arg2: memref<24xi32, #tpu.memory_space<smem>>) -> (i32, i32, i32) {
    %get3A = arith.index_cast %arg0 : i32 to index
    %get3A_0 = memref.load %arg1[%get3A] : memref<24xi32, #tpu.memory_space<smem>>
    %c0_i32 = arith.constant 0 : i32
    %c0_i32_1 = arith.constant 0 : i32
    %c0_i32_2 = arith.constant 0 : i32
    return %get3A_0, %c0_i32, %c0_i32_1 : i32, i32, i32
  }
  func.func @transform_11(%arg0: i32, %arg1: memref<24xi32, #tpu.memory_space<smem>>, %arg2: memref<24xi32, #tpu.memory_space<smem>>) -> (i32, i32, i32) {
    %get3A = arith.index_cast %arg0 : i32 to index
    %get3A_0 = memref.load %arg1[%get3A] : memref<24xi32, #tpu.memory_space<smem>>
    %c0_i32 = arith.constant 0 : i32
    %c0_i32_1 = arith.constant 0 : i32
    %c0_i32_2 = arith.constant 0 : i32
    return %get3A_0, %c0_i32, %c0_i32_1 : i32, i32, i32
  }
  func.func @transform_12(%arg0: i32, %arg1: memref<24xi32, #tpu.memory_space<smem>>, %arg2: memref<24xi32, #tpu.memory_space<smem>>) -> (i32, i32, i32) {
    %get3A = arith.index_cast %arg0 : i32 to index
    %get3A_0 = memref.load %arg1[%get3A] : memref<24xi32, #tpu.memory_space<smem>>
    %c0_i32 = arith.constant 0 : i32
    %c0_i32_1 = arith.constant 0 : i32
    %c0_i32_2 = arith.constant 0 : i32
    return %get3A_0, %c0_i32, %c0_i32_1 : i32, i32, i32
  }
  func.func @transform_13(%arg0: i32, %arg1: memref<24xi32, #tpu.memory_space<smem>>, %arg2: memref<24xi32, #tpu.memory_space<smem>>) -> (i32, i32, i32) {
    %get3A = arith.index_cast %arg0 : i32 to index
    %get3A_0 = memref.load %arg1[%get3A] : memref<24xi32, #tpu.memory_space<smem>>
    %c0_i32 = arith.constant 0 : i32
    %c0_i32_1 = arith.constant 0 : i32
    %c0_i32_2 = arith.constant 0 : i32
    return %get3A_0, %c0_i32, %c0_i32_1 : i32, i32, i32
  }
  func.func @transform_14(%arg0: i32, %arg1: memref<24xi32, #tpu.memory_space<smem>>, %arg2: memref<24xi32, #tpu.memory_space<smem>>) -> (i32, i32, i32) {
    %get3A = arith.index_cast %arg0 : i32 to index
    %get3A_0 = memref.load %arg1[%get3A] : memref<24xi32, #tpu.memory_space<smem>>
    %c0_i32 = arith.constant 0 : i32
    %c0_i32_1 = arith.constant 0 : i32
    %c0_i32_2 = arith.constant 0 : i32
    return %get3A_0, %c0_i32, %c0_i32_1 : i32, i32, i32
  }
  func.func @transform_15(%arg0: i32, %arg1: memref<24xi32, #tpu.memory_space<smem>>, %arg2: memref<24xi32, #tpu.memory_space<smem>>) -> (i32, i32) {
    %c0_i32 = arith.constant 0 : i32
    %c0_i32_0 = arith.constant 0 : i32
    %c0_i32_1 = arith.constant 0 : i32
    return %c0_i32, %c0_i32_0 : i32, i32
  }
  func.func @transform_16(%arg0: i32, %arg1: memref<24xi32, #tpu.memory_space<smem>>, %arg2: memref<24xi32, #tpu.memory_space<smem>>) -> (i32, i32) {
    %c0_i32 = arith.constant 0 : i32
    %c0_i32_0 = arith.constant 0 : i32
    %c0_i32_1 = arith.constant 0 : i32
    return %c0_i32, %c0_i32_0 : i32, i32
  }
}

</mosaic_0001>

<sc_bundles>
// kernel: kernel.6.cloned.1.call-start
scs
__scs_entry_jumppad:
0x0: {  	(pc) =	sbr.rel $0x88, $3  }
0x1: {  	(tag) =	ssettag $0x0;
	lr =	simm.s32 $0x1  }
0x2: {  	[smem:$0x3F54] =	sst lr;
	_ =	strace $0xD0000000  }
0x3: {  	_ = 	snop  }
0x4: {  	_ = 	snop  }
0x5: {  	_ = 	snop  }
0x6: {  	_ = 	snop  }
0x7: {  	_ = 	snop  }
__scs_overlays_trampoline_lowered:
0x8: {  	[smem:$0x3F63] =	sst s0  }
0x9: {  	[smem:$0x3F64] =	sst s1  }
0xa: {  	[smem:$0x3F65] =	sst s2  }
0xb: {  	[smem:$0x3F66] =	sst s3  }
0xc: {  	[smem:$0x3F67] =	sst s4  }
0xd: {  	[smem:$0x3F68] =	sst s5  }
0xe: {  	[smem:$0x3F69] =	sst s6  }
0xf: {  	[smem:$0x3F6A] =	sst s7  }
0x10: {  	[smem:$0x3F6B] =	sst s8  }
0x11: {  	[smem:$0x3F6C] =	sst s9;
	s0 =	simm.s32 @!p0 $0x0  }
0x12: {  	s1 =	sld [smem:$0x3F52];
	s0 =	simm.s32 @p0 $0x1  }
0x13: {  	[smem:$0x3F6D] =	sst s0;
	s0 =	simm.s32 @!p1 $0x0  }
0x14: {  	s2 =	sld [smem:$0x3F51];
	s0 =	simm.s32 @p1 $0x1  }
0x15: {  	[smem:$0x3F6E] =	sst s0;
	s0 =	simm.s32 @!p2 $0x0  }
0x16: {  	s3 =	sld [smem:$0x3FDB];
	s0 =	simm.s32 @p2 $0x1  }
0x17: {  	s4 =	simm.s32 $0x1BF5;
	[smem:$0x3F70] =	sst s0  }
0x18: {  	s0 =	sld [smem:$0x3F53];
	_ =	swait.ge [sflag:s4], $0x0  }
0x19: {  	s7 =	sld [smem:$0x3F54]  }
0x1a: {  	s8 =	sadd.s32 $0xFFFFE003, lr  }
0x1b: {  	s9 =	sadd.s32 $0xFFFFFEF7, lr;
	s5 =	simm.s32 $0xFFFFFFFF;
	p2 =	slt.u32 s8, $0xFFFFF086  }
0x1c: {  	p1 =	slt.u32 s9, $0xF7A;
	s5 =	simm.s32 @!p2 $0x0  }
0x1d: {  	s5 =	simm.s32 @p1 $0x1;
	p0 =	seq.s32 s7, s2  }
0x1e: {  	s7 =	smul.u32 @!p0 $0xF7A, s2;
	p2 =	seq.s32 @!p0 s5, $0x0  }
0x1f: {  	s9 =	smul.u32 $0xF7A, s1;
	s8 =	simm.s32 @!p0 $0x1BF5;
	p2 =	por !p2, p0  }
0x20: {  	[sflag:s8] =	ssyncset.s32 @!p0 $0xFFFFF086;
	s6 =	sadd.s32 @!p0 s3, s7;
	s7 =	simm.s32 @!p0 $0x108  }
0x21: {  	s3 =	sadd.s32 s3, s9;
	s6 =	sadd.s32 @!p0 $0x88, s6;
	s7 =	simm.s32 @p2 $0x1082  }
0x22: {  	[simem:s7], [sflag:s8] =	dma.local @!p0 [hbm:s6], $0xF7A  }
0x23: {  	s9 =	sor.u32 $0xD0000000, s2;
	s6 =	simm.s32 $0x108;
	_ =	swait.ge @!p0 [sflag:s8], $0x0  }
0x24: {  	s3 =	sadd.s32 $0x88, s3;
	s6 =	simm.s32 @!p1 $0x1082;
	[sflag:s4] =	ssyncset.s32 $0xFFFFF086  }
0x25: {  	[simem:s6], [sflag:s4] =	dma.local [hbm:s3], $0xF7A  }
0x26: {  	[smem:$0x3F54] =	sst s1;
	(tag) =	ssettag s2;
	_ =	strace s9  }
0x27: {  	s1 =	sld [smem:$0x3F64]  }
0x28: {  	s2 =	sld [smem:$0x3F65]  }
0x29: {  	s4 =	sld [smem:$0x3F67]  }
0x2a: {  	p0 =	seq.s32 s5, $0x0;
	s5 =	sld [smem:$0x3F68]  }
0x2b: {  	s6 =	sld [smem:$0x3F69]  }
0x2c: {  	s7 =	sld [smem:$0x3F6A]  }
0x2d: {  	s3 =	simm.s32 $0x108;
	s8 =	sld [smem:$0x3F6B]  }
0x2e: {  	s3 =	simm.s32 @!p0 $0x1082;
	s9 =	sld [smem:$0x3F6C]  }
0x2f: {  	lr =	sadd.s32 s0, s3;
	s0 =	sld [smem:$0x3F63]  }
0x30: {  	s3 =	sld [smem:$0x3F66]  }
0x31: {  	[smem:$0x3F6F] =	sst s10  }
0x32: {  	s10 =	sld [smem:$0x3F6D];
	_ =	sdelay $0x3  }
0x33: {  	p0 =	seq.s32 s10, $0x1;
	s10 =	sld [smem:$0x3F6F];
	_ =	sdelay $0x3  }
0x34: {  	[smem:$0x3F6F] =	sst s10  }
0x35: {  	s10 =	sld [smem:$0x3F6E];
	_ =	sdelay $0x3  }
0x36: {  	p1 =	seq.s32 s10, $0x1;
	s10 =	sld [smem:$0x3F6F];
	_ =	sdelay $0x3  }
0x37: {  	[smem:$0x3F6F] =	sst s10  }
0x38: {  	s10 =	sld [smem:$0x3F70]  }
0x39: {  	_ = 	snop;
	(pc) =	sbr.ind lr, $3  }
0x3a: {  	_ = 	snop  }
0x3b: {  	_ = 	snop  }
0x3c: {  	p2 =	seq.s32 s10, $0x1;
	s10 =	sld [smem:$0x3F6F]  }
0x3d: {  	_ =	shalt  }
0x3e: {  	_ =	shalt  }
0x3f: {  	_ =	shalt  }
0x40: {  	_ =	shalt  }
0x41: {  	_ =	shalt  }
0x42: {  	_ =	shalt  }
0x43: {  	_ =	shalt  }
0x44: {  	_ =	shalt  }
0x45: {  	_ =	shalt  }
0x46: {  	_ =	shalt  }
0x47: {  	_ =	shalt  }
0x48: {  	_ =	shalt  }
0x49: {  	_ =	shalt  }
0x4a: {  	_ =	shalt  }
0x4b: {  	_ =	shalt  }
0x4c: {  	_ =	shalt  }
0x4d: {  	_ =	shalt  }
0x4e: {  	_ =	shalt  }
0x4f: {  	_ =	shalt  }
0x50: {  	_ =	shalt  }
0x51: {  	_ =	shalt  }
0x52: {  	_ =	shalt  }
0x53: {  	_ =	shalt  }
0x54: {  	_ =	shalt  }
0x55: {  	_ =	shalt  }
0x56: {  	_ =	shalt  }
0x57: {  	_ =	shalt  }
0x58: {  	_ =	shalt  }
0x59: {  	_ =	shalt  }
0x5a: {  	_ =	shalt  }
0x5b: {  	_ =	shalt  }
0x5c: {  	_ =	shalt  }
0x5d: {  	_ =	shalt  }
0x5e: {  	_ =	shalt  }
0x5f: {  	_ =	shalt  }
0x60: {  	_ =	shalt  }
0x61: {  	_ =	shalt  }
0x62: {  	_ =	shalt  }
0x63: {  	_ =	shalt  }
0x64: {  	_ =	shalt  }
0x65: {  	_ =	shalt  }
0x66: {  	_ =	shalt  }
0x67: {  	_ =	shalt  }
0x68: {  	_ =	shalt  }
0x69: {  	_ =	shalt  }
0x6a: {  	_ =	shalt  }
0x6b: {  	_ =	shalt  }
0x6c: {  	_ =	shalt  }
0x6d: {  	_ =	shalt  }
0x6e: {  	_ =	shalt  }
0x6f: {  	_ =	shalt  }
0x70: {  	_ =	shalt  }
0x71: {  	_ =	shalt  }
0x72: {  	_ =	shalt  }
0x73: {  	_ =	shalt  }
0x74: {  	_ =	shalt  }
0x75: {  	_ =	shalt  }
0x76: {  	_ =	shalt  }
0x77: {  	_ =	shalt  }
0x78: {  	_ =	shalt  }
0x79: {  	_ =	shalt  }
0x7a: {  	_ =	shalt  }
0x7b: {  	_ =	shalt  }
0x7c: {  	_ =	shalt  }
0x7d: {  	_ =	shalt  }
0x7e: {  	_ =	shalt  }
0x7f: {  	_ =	shalt  }
0x80: {  	_ =	shalt  }
0x81: {  	_ =	shalt  }
0x82: {  	_ =	shalt  }
0x83: {  	_ =	shalt  }
0x84: {  	_ =	shalt  }
0x85: {  	_ =	shalt  }
0x86: {  	_ =	shalt  }
0x87: {  	_ =	shalt  }
.Lfunc_end0:
.L_simem_size_0:
called_computation_lowered:
.L_overlay_start_0:
0x88: {  	s2 =	sld [smem:$0x3FD9]  }
0x89: {  	s3 =	sld [smem:$0x3FFE];
	_ =	sdelay $0x1  }
0x8a: {  	s1 =	srdreg.scid  }
0x8b: {  	s0 =	sand.u32 $0x1, s1  }
0x8c: {  	s14 =	sshll.u32 s0, $0xA;
	s2 =	sadd.s32 s3, s2  }
0x8d: {  	s2 =	sadd.s32 s2, s14  }
0x8e: {  	[smem:$0x3F7B] =	sst s2  }
0x8f: {  	_ = 	snop  }
0x90: {  	s2 =	sld [smem:$0x3FD0];
	_ =	sdelay $0x2  }
0x91: {  	s15 =	simm.s32 $0xA;
	s4 =	simm.s32 $0x10  }
0x92: {  	[smem:s4], [sflag:s15] =	dma.local [hbm:s2], $0x1  }
0x93: {  	_ =	swait.eq [sflag:s15], $0x1  }
0x94: {  	[sflag:s15] =	ssyncset.done $0x0  }
0x95: {  	[sflag:s15] =	ssyncadd.s32 $0xFFFFFFFF  }
0x96: {  	s16 =	sld [smem:$0x10];
	(tm) =	ssettm $0x1  }
0x97: {  	s17 =	sld [smem:$0x3FFB];
	_ =	sdelay $0x3  }
0x98: {  	_ =	strace s17  }
0x99: {  	s3 =	sld [smem:$0x3FFC];
	_ =	sdelay $0x3  }
0x9a: {  	_ =	strace s3  }
0x9b: {  	s3 =	sld [smem:$0x3FFD];
	_ =	sdelay $0x3  }
0x9c: {  	_ =	strace s3  }
0x9d: {  	_ =	strace $0x8FFFFFFF  }
0x9e: {  	s18 =	sld [smem:$0x3FDB];
	_ =	sdelay $0x1  }
0x9f: {  	s19 =	simm.s32 $_scs_section_size  }
0xa0: {  	s5 =	simm.s32 $_size__tile_overlayer_lowered;
	s6 =	simm.s32 $_tile_overlayer_lowered  }
0xa1: {  	s22 =	simm.s32 $0x1BFF;
	s21 =	sshll.u32 s6, $0x1;
	s3 =	sadd.s32 s19, s18  }
0xa2: {  	s7 =	simm.s32 $0x0;
	s20 =	sshll.u32 s5, $0x1;
	s5 =	sadd.s32 s21, s3  }
0xa3: {  	[timem:s7], [sflag:s22] =	dma.local [hbm:s5], s20  }
0xa4: {  	_ =	swait.ge [sflag:s22], s20  }
0xa5: {  	s4 =	ssub.s32 $0x0, s20;
	[sflag:s22] =	ssyncset.done $0x0  }
0xa6: {  	[sflag:s22] =	ssyncadd.s32 s4;
	_ =	sdelay $0x1  }
0xa7: {  	s23 =	simm.s32 $0x1B8B  }
0xa8: {  	_ =	swait.ge [sflag:s23], $0x1  }
0xa9: {  	[sflag:s23] =	ssyncset.done $0x0  }
0xaa: {  	s25 =	simm.s32 $0x1B8E;
	s24 =	sld [smem:$0x3FFE];
	[sflag:s23] =	ssyncadd.s32 $0xFFFFFFFF  }
0xab: {  	s26 =	simm.s32 $execute0_lowered;
	[smem:$0x3FD2] =	sst s25  }
0xac: {  	s5 =	sshll.u32 s26, $0x1;
	_ =	strace $0x80000046;
	[dreg:$0x1] =	wrdreg $0xFFFFFFFF  }
0xad: {  	s28 =	simm.s32 $_size_execute0_lowered;
	s3 =	sadd.s32 s3, s5;
	[dreg:$0x0] =	wrdreg $0x0  }
0xae: {  	s5 =	sshll.u32 s28, $0x1;
	[dreg:$0x2] =	wrdreg s3  }
0xaf: {  	[dreg:$0x3] =	wrdreg s5  }
0xb0: {  	[dreg:$0x4] =	wrdreg $0xC0  }
0xb1: {  	_ =	task [dreg:s7], $0x5FFFF  }
0xb2: {  	[dreg:$0x1] =	wrdreg $0xFFFFFFFF  }
0xb3: {  	[dreg:$0x0] =	wrdreg $0x60  }
0xb4: {  	[dreg:$0x2] =	wrdreg s16  }
0xb5: {  	[dreg:$0x3] =	wrdreg s24  }
0xb6: {  	[dreg:$0x4] =	wrdreg $0x9  }
0xb7: {  	_ =	task.clear_ibuf [dreg:s7], $0x5FFFF;
	_ =	strace $0x90000046  }
0xb8: {  	s29 =	simm.s32 $0x9;
	_ =	strace $0x80000048  }
0xb9: {  	_ =	swait.ge [sflag:s29], $0x1  }
0xba: {  	[sflag:s29] =	ssyncadd.s32 $0xFFFFFFFF  }
0xbb: {  	_ =	strace $0x90000048  }
0xbc: {  	_ =	sfence  }
0xbd: {  	s30 =	sld [smem:$0x0];
	_ =	sdelay $0x2  }
0xbe: {  	s31 =	sshll.u32 s1, $0xD;
	s1 =	sshrl.u32 s1, $0x2  }
0xbf: {  	s3 =	sand.u32 $0x4000, s31;
	s1 =	sadd.s32 s1, s30  }
0xc0: {  	s0 =	sor.u32 s3, s0;
	s1 =	sshll.u32 s1, $0x11  }
0xc1: {  	s0 =	sor.u32 s1, s0  }
0xc2: {  	s0 =	sadd.s32 $0x8F2B, s0  }
0xc3: {  	[sflag:s0] =	ssyncadd.remote.s32 $0x1  }
0xc4: {  	_ =	sfence.sel $0xFFFF  }
0xc5: {  	[dreg:$0x0] =	wrdreg $0xFFFFFFFF;
	(pc) =	sbr.abs _section_cstart, $3  }
0xc6: {  	[dreg:$0x1] =	wrdreg $0xFFFFFFFF  }
0xc7: {  	_ =	task.clear_ibuf [dreg:s7], $0x2FFFF;
	_ =	strace $0x9FFFFFFF  }
0xc8: {  	(tm) =	ssettm $0x7FFFFFFF  }
0xc9: {  	_ =	shalt  }
tec
execute0_lowered:
.L_overlay_start_1:
0x0: {  	(tag) =	ssettag $0x1  }
0x1: {  	s1 =	srdreg.scid  }
0x2: {  	s3 =	rddreg [dreg:$0x0];
	s0 =	stileid.u32;
	s11 =	sand.u32 $0x1, s1  }
0x3: {  	s7 =	rddreg [dreg:$0x1];
	s4 =	sshll.u32 s0, $0xA;
	s5 =	sshll.u32 s11, $0x9  }
0x4: {  	s2 =	simm.s32 $0x0;
	s1 =	rddreg [dreg:$0x2];
	s5 =	sor.u32 s5, s4  }
0x5: {  	[smem:$0x7FF] =	sst s2;
	s4 =	sshrl.u32 s5, $0x3  }
0x6: {  	_ =	strace $0x80000047;
	s3 =	sadd.s32 s3, s4;
	s4 =	simm.s32 $0x2  }
0x7: {  	[tilespmem:s2], [sflag:$0x2] =	stream.linear.gather [hbm4b:s3+s2], $0x200, $0x38;
	[tilespmem:$0x1200] =	vst v63  }
0x8: {  	_ =	swait.ge [sflag:s4], $0x200  }
0x9: {  	s5 =	sadd.s32 s5, s7;
	[sflag:s4] =	ssyncset.done $0x0  }
0xa: {  	s6 =	simm.s32 $0x200;
	s5 =	sadd.s32 $0x5E00, s5;
	[sflag:s4] =	ssyncadd.s32 $0xFFFFFE00  }
0xb: {  	[tilespmem:s6], [sflag:$0x2] =	stream.linear.gather [hbm4b:s5+s2], $0x1000, $0x38;
	[tilespmem:$0x1200] =	vst v63  }
0xc: {  	_ =	swait.ge [sflag:s4], $0x1000  }
0xd: {  	s9 =	simm.s32 $0x80;
	[sflag:s4] =	ssyncset.done $0x0  }
0xe: {  	s8 =	simm.s32 $0x1;
	s7 =	sadd.s32 $0x9E00, s7;
	[sflag:s4] =	ssyncadd.s32 $0xFFFFF000  }
0xf: {  	[hbm4b:s7+s9] =	stream.indirect.scatter [tilespmem:s6], [sflag:$0x1], $0x8, s2, s9, $0xb8;
	[tilespmem:$0x1200] =	vst v63  }
0x10: {  	_ =	swait.ge [sflag:s8], $0x400  }
0x11: {  	[sflag:s8] =	ssyncset.done $0x0  }
0x12: {  	s10 =	simm.s32 $0x600;
	s13 =	ssub.s32 $0x2, s11;
	[sflag:s8] =	ssyncadd.s32 $0xFFFFFC00  }
0x13: {  	[hbm4b:s7+s9] =	stream.indirect.scatter [tilespmem:s10], [sflag:$0x1], $0x8, s9, s9, $0xb8;
	[tilespmem:$0x1200] =	vst v63  }
0x14: {  	s14 =	sshrl.u32 s13, $0x1;
	_ =	swait.ge [sflag:s8], $0x400  }
0x15: {  	s12 =	simm.s32 $0xA00;
	s13 =	ssub.s32 s13, s14;
	[sflag:s8] =	ssyncset.done $0x0  }
0x16: {  	s11 =	simm.s32 $0x100;
	s15 =	smax.u32 s13, $0x1;
	[sflag:s8] =	ssyncadd.s32 $0xFFFFFC00  }
0x17: {  	[hbm4b:s7+s9] =	stream.indirect.scatter [tilespmem:s12], [sflag:$0x1], $0x8, s11, s9, $0xb8;
	[tilespmem:$0x1200] =	vst v63  }
0x18: {  	p0 =	sne.s32 s15, $0x1;
	_ =	swait.ge [sflag:s8], $0x400  }
.Ltmp0:
0x19: {  	[sflag:s8] =	ssyncset.done $0x0;
	(pc) =	sbr.rel @!p0 .LBB2_2-.Ltmp0, $4  }
0x1a: {  	s14 =	simm.s32 $0xE00;
	s13 =	simm.s32 $0x180;
	[sflag:s8] =	ssyncadd.s32 $0xFFFFFC00  }
0x1b: {  	[hbm4b:s7+s9] =	stream.indirect.scatter [tilespmem:s14], [sflag:$0x1], $0x8, s13, s9, $0xb8;
	[tilespmem:$0x1200] =	vst v63  }
0x1c: {  	_ =	swait.ge [sflag:s8], $0x400  }
0x1d: {  	s15 =	sadd.s32 $0xFFFFFFFF, s15;
	[sflag:s8] =	ssyncset.done $0x0  }
.LBB2_1:
0x1e: {  	p0 =	sne.s32 s15, $0x1;
	s15 =	sadd.s32 $0xFFFFFFFF, s15;
	[sflag:s8] =	ssyncadd.s32 $0xFFFFFC00  }
0x1f: {  	[tilespmem:s2], [sflag:$0x2] =	stream.linear.gather [hbm4b:s3+s2], $0x200, $0x38;
	[tilespmem:$0x1200] =	vst v63  }
0x20: {  	_ =	swait.ge [sflag:s4], $0x200  }
0x21: {  	[sflag:s4] =	ssyncset.done $0x0  }
0x22: {  	[sflag:s4] =	ssyncadd.s32 $0xFFFFFE00  }
0x23: {  	[tilespmem:s6], [sflag:$0x2] =	stream.linear.gather [hbm4b:s5+s2], $0x1000, $0x38;
	[tilespmem:$0x1200] =	vst v63  }
0x24: {  	_ =	swait.ge [sflag:s4], $0x1000  }
0x25: {  	[sflag:s4] =	ssyncset.done $0x0  }
0x26: {  	[sflag:s4] =	ssyncadd.s32 $0xFFFFF000  }
0x27: {  	[hbm4b:s7+s9] =	stream.indirect.scatter [tilespmem:s6], [sflag:$0x1], $0x8, s2, s9, $0xb8;
	[tilespmem:$0x1200] =	vst v63  }
0x28: {  	_ =	swait.ge [sflag:s8], $0x400  }
0x29: {  	[sflag:s8] =	ssyncset.done $0x0  }
0x2a: {  	[sflag:s8] =	ssyncadd.s32 $0xFFFFFC00  }
0x2b: {  	[hbm4b:s7+s9] =	stream.indirect.scatter [tilespmem:s10], [sflag:$0x1], $0x8, s9, s9, $0xb8;
	[tilespmem:$0x1200] =	vst v63  }
0x2c: {  	_ =	swait.ge [sflag:s8], $0x400  }
0x2d: {  	[sflag:s8] =	ssyncset.done $0x0  }
0x2e: {  	[sflag:s8] =	ssyncadd.s32 $0xFFFFFC00  }
0x2f: {  	[hbm4b:s7+s9] =	stream.indirect.scatter [tilespmem:s12], [sflag:$0x1], $0x8, s11, s9, $0xb8;
	[tilespmem:$0x1200] =	vst v63  }
0x30: {  	_ =	swait.ge [sflag:s8], $0x400  }
.Ltmp1:
0x31: {  	[sflag:s8] =	ssyncset.done $0x0;
	(pc) =	sbr.rel @p0 .LBB2_1-.Ltmp1, $4  }
0x32: {  	[sflag:s8] =	ssyncadd.s32 $0xFFFFFC00  }
0x33: {  	[hbm4b:s7+s9] =	stream.indirect.scatter [tilespmem:s14], [sflag:$0x1], $0x8, s13, s9, $0xb8;
	[tilespmem:$0x1200] =	vst v63  }
0x34: {  	_ =	swait.ge [sflag:s8], $0x400  }
0x35: {  	[sflag:s8] =	ssyncset.done $0x0  }
.LBB2_2:
0x36: {  	[sflag:s8] =	ssyncadd.s32 $0xFFFFFC00  }
0x37: {  	_ =	sfence.sel $0x180000  }
0x38: {  	[bflag:$0x0] =	sbarrier.arrive $0xFFFF  }
0x39: {  	p0 =	sne.s32 s0, $0x0;
	_ =	strace $0x90000047  }
0x3a: {  	s0 =	sadd.s32 @!p0 $0x100000, s1;
	[bflag:$0x2] =	sbarrier.arrive $0xFFFF  }
0x3b: {  	[sflag:s0] =	ssyncadd.tile.s32 @!p0 $0x1;
	_ =	shalt  }
.Lfunc_end2:
_tile_overlayer_lowered:
.L_overlay_start_2:
0x3c: {  	(tag) =	ssettag $0x2  }
0x3d: {  	s0 =	rddreg [dreg:$0x0];
	s2 =	stileid.u32  }
0x3e: {  	s1 =	rddreg [dreg:$0x1];
	p0 =	sne.s32 s2, $0x0  }
0x3f: {  	s3 =	rddreg [dreg:$0x2];
	[bflag:$0x3] =	sbarrier.arrive $0xFFFF;
	s2 =	simm.s32 @!p0 $0x1C02  }
0x40: {  	[timem:s3], [sflag:s2] =	dma.local @!p0 [hbm:s0], s1  }
0x41: {  	s0 =	simm.s32 @!p0 $0x2  }
0x42: {  	_ =	swait.ge @!p0 [sflag:s0], s1  }
0x43: {  	s1 =	ssub.s32 @!p0 $0x0, s1;
	[sflag:s0] =	ssyncset.done @!p0 $0x0  }
0x44: {  	[sflag:s0] =	ssyncadd.s32 @!p0 s1  }
0x45: {  	[bflag:$0x3] =	sbarrier.arrive $0xFFFF  }
0x46: {  	_ =	shalt  }

</sc_bundles>
